<compile_context>
chip_gen: v7x
topology: tpu7x:2x2x1
jax: 0.10.2.dev20260603
libtpu: 0.0.44.dev20260713+nightly
codegen_flags: <defaults>
</compile_context>

<pallas_src>
import functools

import jax
import jax.numpy as jnp
from jax import lax
from jax.experimental import pallas as pl
from jax.experimental.pallas import tpu as pltpu
from jax.experimental.pallas import tpu_sc as plsc

B = 1024
K = 1000
D = 512
MARGIN = 5.0

_info = plsc.get_sparse_core_info()
_NC, _NS, _L = _info.num_cores, _info.num_subcores, _info.num_lanes
_NW = _NC * _NS
_BPW = B // _NW


def _sc_pos_body(x_hbm, lab_hbm, c_hbm, out_hbm, idx_v, g_v, x_v, o_v, sem):
    wid = lax.axis_index("s") * _NC + lax.axis_index("c")
    base = wid * _BPW
    pltpu.sync_copy(lab_hbm.at[pl.ds(base, _BPW)], idx_v)
    pltpu.async_copy(c_hbm.at[idx_v], g_v, sem).wait()
    pltpu.sync_copy(x_hbm.at[pl.ds(base, _BPW)], x_v)

    def _row(r, _):
        acc = jnp.zeros((_L,), jnp.float32)
        for k in range(D // _L):
            ga = g_v[r, pl.ds(k * _L, _L)]
            xa = x_v[r, pl.ds(k * _L, _L)]
            acc = acc + ga * (0.5 * ga - xa)
        o_v[r, :] = acc
        return 0

    lax.fori_loop(0, _BPW, _row, 0)
    pltpu.sync_copy(o_v, out_hbm.at[pl.ds(base, _BPW)])


def _sc_pos(x, labels, centers):
    kern = functools.partial(
        pl.kernel,
        mesh=plsc.VectorSubcoreMesh(core_axis_name="c", subcore_axis_name="s"),
        out_type=jax.ShapeDtypeStruct((B, _L), jnp.float32),
        scratch_types=[
            pltpu.VMEM((_BPW,), jnp.int32),
            pltpu.VMEM((_BPW, D), jnp.float32),
            pltpu.VMEM((_BPW, D), jnp.float32),
            pltpu.VMEM((_BPW, _L), jnp.float32),
            pltpu.SemaphoreType.DMA,
        ],
    )(_sc_pos_body)
    return kern(x, labels, centers)


def _tc_neg_body(x_ref, c_ref, lab_ref, out_ref, cch_ref, labc_ref):
    c = c_ref[...]
    cch_ref[...] = 0.5 * jnp.sum(c * c, axis=1)[None, :]
    labc_ref[...] = lab_ref[...].reshape(B, 1)
    prod = jax.lax.dot_general(
        x_ref[...], c, dimension_numbers=(((1,), (1,)), ((), ())),
        preferred_element_type=jnp.float32,
        precision=None)
    d2h = cch_ref[...] - prod
    own = jax.lax.broadcasted_iota(jnp.int32, (B, K), 1) == labc_ref[...]
    out_ref[...] = jnp.min(jnp.where(own, jnp.inf, d2h), axis=1, keepdims=True)


def _tc_combine_body(neg_ref, o2_ref, out_ref):
    pos = jnp.sum(o2_ref[...], axis=1, keepdims=True)
    z = pos - neg_ref[...] + MARGIN
    out_ref[0, 0] = jnp.sum(jnp.log1p(jnp.exp(z))) / B


@jax.jit
def kernel(x, labels, centers):
    labels = labels.astype(jnp.int32)
    o2 = _sc_pos(x, labels, centers)
    neg = pl.pallas_call(
        _tc_neg_body,
        grid=(1,),
        in_specs=[
            pl.BlockSpec((B, D), lambda b: (0, 0)),
            pl.BlockSpec((K, D), lambda b: (0, 0)),
            pl.BlockSpec((B,), lambda b: (0,)),
        ],
        out_specs=pl.BlockSpec((B, 1), lambda b: (0, 0)),
        out_shape=jax.ShapeDtypeStruct((B, 1), jnp.float32),
        scratch_shapes=[
            pltpu.VMEM((1, K), jnp.float32),
            pltpu.VMEM((B, 1), jnp.int32),
        ],
    )(x, centers, labels)
    loss = pl.pallas_call(
        _tc_combine_body,
        grid=(1,),
        in_specs=[
            pl.BlockSpec((B, 1), lambda b: (0, 0)),
            pl.BlockSpec((B, _L), lambda b: (0, 0)),
        ],
        out_specs=pl.BlockSpec(memory_space=pltpu.SMEM),
        out_shape=jax.ShapeDtypeStruct((1, 1), jnp.float32),
    )(neg, o2)
    return loss[0, 0]

# --- scband reference (transcript-rebuilt; emitter-appended) ---
"""Pipeline reference for scband-triplet-center-loss-v2-15917148799624 (READ-ONLY COPY).

The authoritative reference and input builder live on the scoring server;
editing this copy changes nothing except your own understanding.
"""

import jax, jax.numpy as jnp
import numpy as np

BATCH = 1024
NUM_CLASSES = 1000
FEA_DIM = 512
MARGIN = 5.0


def setup_inputs(seed: int = 0) -> dict:
    key = jax.random.key(seed)
    k1, k2, k3 = jax.random.split(key, 3)
    x = jax.random.normal(k1, (BATCH, FEA_DIM), dtype=jnp.float32)
    labels = jax.random.randint(k2, (BATCH,), 0, NUM_CLASSES)
    centers = jax.random.normal(k3, (NUM_CLASSES, FEA_DIM), dtype=jnp.float32)
    return {"x": x, "labels": labels, "centers": centers}


def reference(x, labels, centers):
    # Vectorized, math-faithful version of the per-sample torch loop.
    # squared L2 distance from every sample to every center:
    # ||x_i - c_j||^2 = ||x_i||^2 + ||c_j||^2 - 2 x_i . c_j
    x2 = jnp.sum(x * x, axis=1, keepdims=True)            # [B, 1]
    c2 = jnp.sum(centers * centers, axis=1)[None, :]       # [1, K]
    d2 = x2 + c2 - 2.0 * (x @ centers.T)                   # [B, K]

    b_idx = jnp.arange(BATCH)
    pos_center = d2[b_idx, labels] / 2.0                    # [B]

    classes = jnp.arange(NUM_CLASSES)
    # exclude the own-class center, take min over the rest
    masked = jnp.where(labels[:, None] == classes[None, :], jnp.inf, d2)
    neg_center = jnp.min(masked, axis=1) / 2.0              # [B]

    loss_per = jnp.log1p(jnp.exp(pos_center + MARGIN - neg_center))
    loss = jnp.sum(loss_per) / BATCH
    return loss

if __name__ == "__main__":
    import jax
    _d = setup_inputs()
    print(jax.jit(kernel)(*tuple(_d.values())))

</pallas_src>

<mosaic_0001>
#map = affine_map<(d0, d1) -> (0, 0)>
#map1 = affine_map<(d0, d1) -> (0)>
module attributes {stable_mosaic.version = 14 : i64} {
  func.func @_sc_pos_body(%arg0: i32, %arg1: i32, %arg2: memref<1024x512xf32, #tpu.memory_space<hbm>>, %arg3: memref<1024xi32, #tpu.memory_space<hbm>>, %arg4: memref<1000x512xf32, #tpu.memory_space<hbm>>, %arg5: memref<1024x16xf32, #tpu.memory_space<hbm>>, %arg6: memref<32xi32, #tpu.memory_space<vmem>>, %arg7: memref<32x512xf32, #tpu.memory_space<vmem>>, %arg8: memref<32x512xf32, #tpu.memory_space<vmem>>, %arg9: memref<32x16xf32, #tpu.memory_space<vmem>>, %arg10: memref<!tpu.dma_semaphore, #tpu.memory_space<semaphore_mem>>) attributes {dimension_semantics = [#tpu.dimension_semantics<core_parallel>, #tpu.dimension_semantics<subcore_parallel>], iteration_bounds = array<i64: 2, 16>, scalar_prefetch = 0 : i64, scratch_operands = 5 : i64, tpu.core_type = #tpu.core_type<sc_vector_subcore>, window_params = [{transform_indices = #map}, {transform_indices = #map1}, {transform_indices = #map}, {transform_indices = #map}]} {
    %mul3A = arith.constant 2 : i32
    %mul3A_0 = arith.muli %arg1, %mul3A : i32
    %add3A = arith.addi %mul3A_0, %arg0 : i32
    %mul3A_1 = arith.constant 32 : i32
    %mul3A_2 = arith.muli %add3A, %mul3A_1 : i32
    "tpu.region"() ({
      %run_scoped3A = tpu.sem_alloc : memref<!tpu.dma_semaphore, #tpu.memory_space<semaphore_mem>>
      %dma_start3A_13 = tpu.memref_slice %arg3[%mul3A_2] : memref<1024xi32, #tpu.memory_space<hbm>> -> memref<32xi32, #tpu.memory_space<hbm>>
      %dma_start3A_14 = tpu.memref_slice %arg3[%mul3A_2] : memref<1024xi32, #tpu.memory_space<hbm>> -> memref<32xi32, #tpu.memory_space<hbm>>
      tpu.enqueue_dma source(%dma_start3A_14 : memref<32xi32, #tpu.memory_space<hbm>>) target(%arg6 : memref<32xi32, #tpu.memory_space<vmem>>) target_semaphore(%run_scoped3A : memref<!tpu.dma_semaphore, #tpu.memory_space<semaphore_mem>>)
      %dma_wait3A_15 = tpu.memref_slice %arg3[%mul3A_2] : memref<1024xi32, #tpu.memory_space<hbm>> -> memref<32xi32, #tpu.memory_space<hbm>>
      %dma_wait3A_16 = tpu.memref_slice %arg3[%mul3A_2] : memref<1024xi32, #tpu.memory_space<hbm>> -> memref<32xi32, #tpu.memory_space<hbm>>
      tpu.wait_dma2 semaphore(%run_scoped3A : memref<!tpu.dma_semaphore, #tpu.memory_space<semaphore_mem>>) src(%dma_wait3A_16 : memref<32xi32, #tpu.memory_space<hbm>>) dst(%arg6 : memref<32xi32, #tpu.memory_space<vmem>>)
      tpu.yield
    }) : () -> ()
    %dma_start3A = arith.constant 0 : i32
    %dma_start3A_3 = arith.constant 0 : i32
    %dma_start3A_4 = tpu.memref_slice %arg4[%dma_start3A, %dma_start3A_3] : memref<1000x512xf32, #tpu.memory_space<hbm>> -> memref<1000x512xf32, #tpu.memory_space<hbm>>
    tpu.enqueue_indirect_dma source(%dma_start3A_4 : memref<1000x512xf32, #tpu.memory_space<hbm>>) target(%arg7 : memref<32x512xf32, #tpu.memory_space<vmem>>) offsets(%arg6 : memref<32xi32, #tpu.memory_space<vmem>>) semaphore(%arg10 : memref<!tpu.dma_semaphore, #tpu.memory_space<semaphore_mem>>)
    %dma_wait3A = arith.constant 0 : i32
    %dma_wait3A_5 = arith.constant 0 : i32
    %dma_wait3A_6 = tpu.memref_slice %arg4[%dma_wait3A, %dma_wait3A_5] : memref<1000x512xf32, #tpu.memory_space<hbm>> -> memref<1000x512xf32, #tpu.memory_space<hbm>>
    tpu.wait_indirect_dma semaphore(%arg10 : memref<!tpu.dma_semaphore, #tpu.memory_space<semaphore_mem>>) src(%dma_wait3A_6 : memref<1000x512xf32, #tpu.memory_space<hbm>>) dst(%arg7 : memref<32x512xf32, #tpu.memory_space<vmem>>)
    "tpu.region"() ({
      %run_scoped3A = tpu.sem_alloc : memref<!tpu.dma_semaphore, #tpu.memory_space<semaphore_mem>>
      %dma_start3A_13 = arith.constant 0 : i32
      %dma_start3A_14 = tpu.memref_slice %arg2[%mul3A_2, %dma_start3A_13] : memref<1024x512xf32, #tpu.memory_space<hbm>> -> memref<32x512xf32, #tpu.memory_space<hbm>>
      %dma_start3A_15 = arith.constant 0 : i32
      %dma_start3A_16 = tpu.memref_slice %arg2[%mul3A_2, %dma_start3A_15] : memref<1024x512xf32, #tpu.memory_space<hbm>> -> memref<32x512xf32, #tpu.memory_space<hbm>>
      tpu.enqueue_dma source(%dma_start3A_16 : memref<32x512xf32, #tpu.memory_space<hbm>>) target(%arg8 : memref<32x512xf32, #tpu.memory_space<vmem>>) target_semaphore(%run_scoped3A : memref<!tpu.dma_semaphore, #tpu.memory_space<semaphore_mem>>)
      %dma_wait3A_17 = arith.constant 0 : i32
      %dma_wait3A_18 = tpu.memref_slice %arg2[%mul3A_2, %dma_wait3A_17] : memref<1024x512xf32, #tpu.memory_space<hbm>> -> memref<32x512xf32, #tpu.memory_space<hbm>>
      %dma_wait3A_19 = arith.constant 0 : i32
      %dma_wait3A_20 = tpu.memref_slice %arg2[%mul3A_2, %dma_wait3A_19] : memref<1024x512xf32, #tpu.memory_space<hbm>> -> memref<32x512xf32, #tpu.memory_space<hbm>>
      tpu.wait_dma2 semaphore(%run_scoped3A : memref<!tpu.dma_semaphore, #tpu.memory_space<semaphore_mem>>) src(%dma_wait3A_20 : memref<32x512xf32, #tpu.memory_space<hbm>>) dst(%arg8 : memref<32x512xf32, #tpu.memory_space<vmem>>)
      tpu.yield
    }) : () -> ()
    %scan3A = arith.constant 0 : i32
    %scan3A_7 = arith.constant 0 : i32
    %scan3A_8 = arith.constant 32 : i32
    %scan3A_9 = arith.addi %scan3A_7, %scan3A_8 : i32
    %scan3A_10 = arith.constant 1 : i32
    %scan3A_11 = scf.for %scan3A_13 = %scan3A_7 to %scan3A_9 step %scan3A_10 iter_args(%scan3A_14 = %scan3A) -> (i32)  : i32 {
      %broadcast_in_dim3A = arith.constant 0.000000e+00 : f32
      %broadcast_in_dim3A_15 = vector.broadcast %broadcast_in_dim3A : f32 to vector<16xf32>
      %get3A = arith.index_cast %scan3A_13 : i32 to index
      %get3A_16 = arith.constant 0 : index
      %get3A_17 = tpu.vector_load %arg7[%get3A, %get3A_16] {strides = array<i32>} : memref<32x512xf32, #tpu.memory_space<vmem>>, vector<1x16xf32>,
      %get3A_18 = vector.shape_cast %get3A_17 : vector<1x16xf32> to vector<16xf32>
      %get3A_19 = arith.index_cast %scan3A_13 : i32 to index
      %get3A_20 = arith.constant 0 : index
      %get3A_21 = tpu.vector_load %arg8[%get3A_19, %get3A_20] {strides = array<i32>} : memref<32x512xf32, #tpu.memory_space<vmem>>, vector<1x16xf32>,
      %get3A_22 = vector.shape_cast %get3A_21 : vector<1x16xf32> to vector<16xf32>
      %mul3A_23 = arith.constant 5.000000e-01 : f32
      %mul3A_24 = vector.broadcast %mul3A_23 : f32 to vector<16xf32>
      %mul3A_25 = arith.mulf %mul3A_24, %get3A_18 : vector<16xf32>
      %sub3A = arith.subf %mul3A_25, %get3A_22 : vector<16xf32>
      %mul3A_26 = arith.mulf %get3A_18, %sub3A : vector<16xf32>
      %add3A_27 = arith.addf %broadcast_in_dim3A_15, %mul3A_26 : vector<16xf32>
      %get3A_28 = arith.index_cast %scan3A_13 : i32 to index
      %get3A_29 = arith.constant 16 : index
      %get3A_30 = tpu.vector_load %arg7[%get3A_28, %get3A_29] {strides = array<i32>} : memref<32x512xf32, #tpu.memory_space<vmem>>, vector<1x16xf32>,
      %get3A_31 = vector.shape_cast %get3A_30 : vector<1x16xf32> to vector<16xf32>
      %get3A_32 = arith.index_cast %scan3A_13 : i32 to index
      %get3A_33 = arith.constant 16 : index
      %get3A_34 = tpu.vector_load %arg8[%get3A_32, %get3A_33] {strides = array<i32>} : memref<32x512xf32, #tpu.memory_space<vmem>>, vector<1x16xf32>,
      %get3A_35 = vector.shape_cast %get3A_34 : vector<1x16xf32> to vector<16xf32>
      %mul3A_36 = arith.constant 5.000000e-01 : f32
      %mul3A_37 = vector.broadcast %mul3A_36 : f32 to vector<16xf32>
      %mul3A_38 = arith.mulf %mul3A_37, %get3A_31 : vector<16xf32>
      %sub3A_39 = arith.subf %mul3A_38, %get3A_35 : vector<16xf32>
      %mul3A_40 = arith.mulf %get3A_31, %sub3A_39 : vector<16xf32>
      %add3A_41 = arith.addf %add3A_27, %mul3A_40 : vector<16xf32>
      %get3A_42 = arith.index_cast %scan3A_13 : i32 to index
      %get3A_43 = arith.constant 32 : index
      %get3A_44 = tpu.vector_load %arg7[%get3A_42, %get3A_43] {strides = array<i32>} : memref<32x512xf32, #tpu.memory_space<vmem>>, vector<1x16xf32>,
      %get3A_45 = vector.shape_cast %get3A_44 : vector<1x16xf32> to vector<16xf32>
      %get3A_46 = arith.index_cast %scan3A_13 : i32 to index
      %get3A_47 = arith.constant 32 : index
      %get3A_48 = tpu.vector_load %arg8[%get3A_46, %get3A_47] {strides = array<i32>} : memref<32x512xf32, #tpu.memory_space<vmem>>, vector<1x16xf32>,
      %get3A_49 = vector.shape_cast %get3A_48 : vector<1x16xf32> to vector<16xf32>
      %mul3A_50 = arith.constant 5.000000e-01 : f32
      %mul3A_51 = vector.broadcast %mul3A_50 : f32 to vector<16xf32>
      %mul3A_52 = arith.mulf %mul3A_51, %get3A_45 : vector<16xf32>
      %sub3A_53 = arith.subf %mul3A_52, %get3A_49 : vector<16xf32>
      %mul3A_54 = arith.mulf %get3A_45, %sub3A_53 : vector<16xf32>
      %add3A_55 = arith.addf %add3A_41, %mul3A_54 : vector<16xf32>
      %get3A_56 = arith.index_cast %scan3A_13 : i32 to index
      %get3A_57 = arith.constant 48 : index
      %get3A_58 = tpu.vector_load %arg7[%get3A_56, %get3A_57] {strides = array<i32>} : memref<32x512xf32, #tpu.memory_space<vmem>>, vector<1x16xf32>,
      %get3A_59 = vector.shape_cast %get3A_58 : vector<1x16xf32> to vector<16xf32>
      %get3A_60 = arith.index_cast %scan3A_13 : i32 to index
      %get3A_61 = arith.constant 48 : index
      %get3A_62 = tpu.vector_load %arg8[%get3A_60, %get3A_61] {strides = array<i32>} : memref<32x512xf32, #tpu.memory_space<vmem>>, vector<1x16xf32>,
      %get3A_63 = vector.shape_cast %get3A_62 : vector<1x16xf32> to vector<16xf32>
      %mul3A_64 = arith.constant 5.000000e-01 : f32
      %mul3A_65 = vector.broadcast %mul3A_64 : f32 to vector<16xf32>
      %mul3A_66 = arith.mulf %mul3A_65, %get3A_59 : vector<16xf32>
      %sub3A_67 = arith.subf %mul3A_66, %get3A_63 : vector<16xf32>
      %mul3A_68 = arith.mulf %get3A_59, %sub3A_67 : vector<16xf32>
      %add3A_69 = arith.addf %add3A_55, %mul3A_68 : vector<16xf32>
      %get3A_70 = arith.index_cast %scan3A_13 : i32 to index
      %get3A_71 = arith.constant 64 : index
      %get3A_72 = tpu.vector_load %arg7[%get3A_70, %get3A_71] {strides = array<i32>} : memref<32x512xf32, #tpu.memory_space<vmem>>, vector<1x16xf32>,
      %get3A_73 = vector.shape_cast %get3A_72 : vector<1x16xf32> to vector<16xf32>
      %get3A_74 = arith.index_cast %scan3A_13 : i32 to index
      %get3A_75 = arith.constant 64 : index
      %get3A_76 = tpu.vector_load %arg8[%get3A_74, %get3A_75] {strides = array<i32>} : memref<32x512xf32, #tpu.memory_space<vmem>>, vector<1x16xf32>,
      %get3A_77 = vector.shape_cast %get3A_76 : vector<1x16xf32> to vector<16xf32>
      %mul3A_78 = arith.constant 5.000000e-01 : f32
      %mul3A_79 = vector.broadcast %mul3A_78 : f32 to vector<16xf32>
      %mul3A_80 = arith.mulf %mul3A_79, %get3A_73 : vector<16xf32>
      %sub3A_81 = arith.subf %mul3A_80, %get3A_77 : vector<16xf32>
      %mul3A_82 = arith.mulf %get3A_73, %sub3A_81 : vector<16xf32>
      %add3A_83 = arith.addf %add3A_69, %mul3A_82 : vector<16xf32>
      %get3A_84 = arith.index_cast %scan3A_13 : i32 to index
      %get3A_85 = arith.constant 80 : index
      %get3A_86 = tpu.vector_load %arg7[%get3A_84, %get3A_85] {strides = array<i32>} : memref<32x512xf32, #tpu.memory_space<vmem>>, vector<1x16xf32>,
      %get3A_87 = vector.shape_cast %get3A_86 : vector<1x16xf32> to vector<16xf32>
      %get3A_88 = arith.index_cast %scan3A_13 : i32 to index
      %get3A_89 = arith.constant 80 : index
      %get3A_90 = tpu.vector_load %arg8[%get3A_88, %get3A_89] {strides = array<i32>} : memref<32x512xf32, #tpu.memory_space<vmem>>, vector<1x16xf32>,
      %get3A_91 = vector.shape_cast %get3A_90 : vector<1x16xf32> to vector<16xf32>
      %mul3A_92 = arith.constant 5.000000e-01 : f32
      %mul3A_93 = vector.broadcast %mul3A_92 : f32 to vector<16xf32>
      %mul3A_94 = arith.mulf %mul3A_93, %get3A_87 : vector<16xf32>
      %sub3A_95 = arith.subf %mul3A_94, %get3A_91 : vector<16xf32>
      %mul3A_96 = arith.mulf %get3A_87, %sub3A_95 : vector<16xf32>
      %add3A_97 = arith.addf %add3A_83, %mul3A_96 : vector<16xf32>
      %get3A_98 = arith.index_cast %scan3A_13 : i32 to index
      %get3A_99 = arith.constant 96 : index
      %get3A_100 = tpu.vector_load %arg7[%get3A_98, %get3A_99] {strides = array<i32>} : memref<32x512xf32, #tpu.memory_space<vmem>>, vector<1x16xf32>,
      %get3A_101 = vector.shape_cast %get3A_100 : vector<1x16xf32> to vector<16xf32>
      %get3A_102 = arith.index_cast %scan3A_13 : i32 to index
      %get3A_103 = arith.constant 96 : index
      %get3A_104 = tpu.vector_load %arg8[%get3A_102, %get3A_103] {strides = array<i32>} : memref<32x512xf32, #tpu.memory_space<vmem>>, vector<1x16xf32>,
      %get3A_105 = vector.shape_cast %get3A_104 : vector<1x16xf32> to vector<16xf32>
      %mul3A_106 = arith.constant 5.000000e-01 : f32
      %mul3A_107 = vector.broadcast %mul3A_106 : f32 to vector<16xf32>
      %mul3A_108 = arith.mulf %mul3A_107, %get3A_101 : vector<16xf32>
      %sub3A_109 = arith.subf %mul3A_108, %get3A_105 : vector<16xf32>
      %mul3A_110 = arith.mulf %get3A_101, %sub3A_109 : vector<16xf32>
      %add3A_111 = arith.addf %add3A_97, %mul3A_110 : vector<16xf32>
      %get3A_112 = arith.index_cast %scan3A_13 : i32 to index
      %get3A_113 = arith.constant 112 : index
      %get3A_114 = tpu.vector_load %arg7[%get3A_112, %get3A_113] {strides = array<i32>} : memref<32x512xf32, #tpu.memory_space<vmem>>, vector<1x16xf32>,
      %get3A_115 = vector.shape_cast %get3A_114 : vector<1x16xf32> to vector<16xf32>
      %get3A_116 = arith.index_cast %scan3A_13 : i32 to index
      %get3A_117 = arith.constant 112 : index
      %get3A_118 = tpu.vector_load %arg8[%get3A_116, %get3A_117] {strides = array<i32>} : memref<32x512xf32, #tpu.memory_space<vmem>>, vector<1x16xf32>,
      %get3A_119 = vector.shape_cast %get3A_118 : vector<1x16xf32> to vector<16xf32>
      %mul3A_120 = arith.constant 5.000000e-01 : f32
      %mul3A_121 = vector.broadcast %mul3A_120 : f32 to vector<16xf32>
      %mul3A_122 = arith.mulf %mul3A_121, %get3A_115 : vector<16xf32>
      %sub3A_123 = arith.subf %mul3A_122, %get3A_119 : vector<16xf32>
      %mul3A_124 = arith.mulf %get3A_115, %sub3A_123 : vector<16xf32>
      %add3A_125 = arith.addf %add3A_111, %mul3A_124 : vector<16xf32>
      %get3A_126 = arith.index_cast %scan3A_13 : i32 to index
      %get3A_127 = arith.constant 128 : index
      %get3A_128 = tpu.vector_load %arg7[%get3A_126, %get3A_127] {strides = array<i32>} : memref<32x512xf32, #tpu.memory_space<vmem>>, vector<1x16xf32>,
      %get3A_129 = vector.shape_cast %get3A_128 : vector<1x16xf32> to vector<16xf32>
      %get3A_130 = arith.index_cast %scan3A_13 : i32 to index
      %get3A_131 = arith.constant 128 : index
      %get3A_132 = tpu.vector_load %arg8[%get3A_130, %get3A_131] {strides = array<i32>} : memref<32x512xf32, #tpu.memory_space<vmem>>, vector<1x16xf32>,
      %get3A_133 = vector.shape_cast %get3A_132 : vector<1x16xf32> to vector<16xf32>
      %mul3A_134 = arith.constant 5.000000e-01 : f32
      %mul3A_135 = vector.broadcast %mul3A_134 : f32 to vector<16xf32>
      %mul3A_136 = arith.mulf %mul3A_135, %get3A_129 : vector<16xf32>
      %sub3A_137 = arith.subf %mul3A_136, %get3A_133 : vector<16xf32>
      %mul3A_138 = arith.mulf %get3A_129, %sub3A_137 : vector<16xf32>
      %add3A_139 = arith.addf %add3A_125, %mul3A_138 : vector<16xf32>
      %get3A_140 = arith.index_cast %scan3A_13 : i32 to index
      %get3A_141 = arith.constant 144 : index
      %get3A_142 = tpu.vector_load %arg7[%get3A_140, %get3A_141] {strides = array<i32>} : memref<32x512xf32, #tpu.memory_space<vmem>>, vector<1x16xf32>,
      %get3A_143 = vector.shape_cast %get3A_142 : vector<1x16xf32> to vector<16xf32>
      %get3A_144 = arith.index_cast %scan3A_13 : i32 to index
      %get3A_145 = arith.constant 144 : index
      %get3A_146 = tpu.vector_load %arg8[%get3A_144, %get3A_145] {strides = array<i32>} : memref<32x512xf32, #tpu.memory_space<vmem>>, vector<1x16xf32>,
      %get3A_147 = vector.shape_cast %get3A_146 : vector<1x16xf32> to vector<16xf32>
      %mul3A_148 = arith.constant 5.000000e-01 : f32
      %mul3A_149 = vector.broadcast %mul3A_148 : f32 to vector<16xf32>
      %mul3A_150 = arith.mulf %mul3A_149, %get3A_143 : vector<16xf32>
      %sub3A_151 = arith.subf %mul3A_150, %get3A_147 : vector<16xf32>
      %mul3A_152 = arith.mulf %get3A_143, %sub3A_151 : vector<16xf32>
      %add3A_153 = arith.addf %add3A_139, %mul3A_152 : vector<16xf32>
      %get3A_154 = arith.index_cast %scan3A_13 : i32 to index
      %get3A_155 = arith.constant 160 : index
      %get3A_156 = tpu.vector_load %arg7[%get3A_154, %get3A_155] {strides = array<i32>} : memref<32x512xf32, #tpu.memory_space<vmem>>, vector<1x16xf32>,
      %get3A_157 = vector.shape_cast %get3A_156 : vector<1x16xf32> to vector<16xf32>
      %get3A_158 = arith.index_cast %scan3A_13 : i32 to index
      %get3A_159 = arith.constant 160 : index
      %get3A_160 = tpu.vector_load %arg8[%get3A_158, %get3A_159] {strides = array<i32>} : memref<32x512xf32, #tpu.memory_space<vmem>>, vector<1x16xf32>,
      %get3A_161 = vector.shape_cast %get3A_160 : vector<1x16xf32> to vector<16xf32>
      %mul3A_162 = arith.constant 5.000000e-01 : f32
      %mul3A_163 = vector.broadcast %mul3A_162 : f32 to vector<16xf32>
      %mul3A_164 = arith.mulf %mul3A_163, %get3A_157 : vector<16xf32>
      %sub3A_165 = arith.subf %mul3A_164, %get3A_161 : vector<16xf32>
      %mul3A_166 = arith.mulf %get3A_157, %sub3A_165 : vector<16xf32>
      %add3A_167 = arith.addf %add3A_153, %mul3A_166 : vector<16xf32>
      %get3A_168 = arith.index_cast %scan3A_13 : i32 to index
      %get3A_169 = arith.constant 176 : index
      %get3A_170 = tpu.vector_load %arg7[%get3A_168, %get3A_169] {strides = array<i32>} : memref<32x512xf32, #tpu.memory_space<vmem>>, vector<1x16xf32>,
      %get3A_171 = vector.shape_cast %get3A_170 : vector<1x16xf32> to vector<16xf32>
      %get3A_172 = arith.index_cast %scan3A_13 : i32 to index
      %get3A_173 = arith.constant 176 : index
      %get3A_174 = tpu.vector_load %arg8[%get3A_172, %get3A_173] {strides = array<i32>} : memref<32x512xf32, #tpu.memory_space<vmem>>, vector<1x16xf32>,
      %get3A_175 = vector.shape_cast %get3A_174 : vector<1x16xf32> to vector<16xf32>
      %mul3A_176 = arith.constant 5.000000e-01 : f32
      %mul3A_177 = vector.broadcast %mul3A_176 : f32 to vector<16xf32>
      %mul3A_178 = arith.mulf %mul3A_177, %get3A_171 : vector<16xf32>
      %sub3A_179 = arith.subf %mul3A_178, %get3A_175 : vector<16xf32>
      %mul3A_180 = arith.mulf %get3A_171, %sub3A_179 : vector<16xf32>
      %add3A_181 = arith.addf %add3A_167, %mul3A_180 : vector<16xf32>
      %get3A_182 = arith.index_cast %scan3A_13 : i32 to index
      %get3A_183 = arith.constant 192 : index
      %get3A_184 = tpu.vector_load %arg7[%get3A_182, %get3A_183] {strides = array<i32>} : memref<32x512xf32, #tpu.memory_space<vmem>>, vector<1x16xf32>,
      %get3A_185 = vector.shape_cast %get3A_184 : vector<1x16xf32> to vector<16xf32>
      %get3A_186 = arith.index_cast %scan3A_13 : i32 to index
      %get3A_187 = arith.constant 192 : index
      %get3A_188 = tpu.vector_load %arg8[%get3A_186, %get3A_187] {strides = array<i32>} : memref<32x512xf32, #tpu.memory_space<vmem>>, vector<1x16xf32>,
      %get3A_189 = vector.shape_cast %get3A_188 : vector<1x16xf32> to vector<16xf32>
      %mul3A_190 = arith.constant 5.000000e-01 : f32
      %mul3A_191 = vector.broadcast %mul3A_190 : f32 to vector<16xf32>
      %mul3A_192 = arith.mulf %mul3A_191, %get3A_185 : vector<16xf32>
      %sub3A_193 = arith.subf %mul3A_192, %get3A_189 : vector<16xf32>
      %mul3A_194 = arith.mulf %get3A_185, %sub3A_193 : vector<16xf32>
      %add3A_195 = arith.addf %add3A_181, %mul3A_194 : vector<16xf32>
      %get3A_196 = arith.index_cast %scan3A_13 : i32 to index
      %get3A_197 = arith.constant 208 : index
      %get3A_198 = tpu.vector_load %arg7[%get3A_196, %get3A_197] {strides = array<i32>} : memref<32x512xf32, #tpu.memory_space<vmem>>, vector<1x16xf32>,
      %get3A_199 = vector.shape_cast %get3A_198 : vector<1x16xf32> to vector<16xf32>
      %get3A_200 = arith.index_cast %scan3A_13 : i32 to index
      %get3A_201 = arith.constant 208 : index
      %get3A_202 = tpu.vector_load %arg8[%get3A_200, %get3A_201] {strides = array<i32>} : memref<32x512xf32, #tpu.memory_space<vmem>>, vector<1x16xf32>,
      %get3A_203 = vector.shape_cast %get3A_202 : vector<1x16xf32> to vector<16xf32>
      %mul3A_204 = arith.constant 5.000000e-01 : f32
      %mul3A_205 = vector.broadcast %mul3A_204 : f32 to vector<16xf32>
      %mul3A_206 = arith.mulf %mul3A_205, %get3A_199 : vector<16xf32>
      %sub3A_207 = arith.subf %mul3A_206, %get3A_203 : vector<16xf32>
      %mul3A_208 = arith.mulf %get3A_199, %sub3A_207 : vector<16xf32>
      %add3A_209 = arith.addf %add3A_195, %mul3A_208 : vector<16xf32>
      %get3A_210 = arith.index_cast %scan3A_13 : i32 to index
      %get3A_211 = arith.constant 224 : index
      %get3A_212 = tpu.vector_load %arg7[%get3A_210, %get3A_211] {strides = array<i32>} : memref<32x512xf32, #tpu.memory_space<vmem>>, vector<1x16xf32>,
      %get3A_213 = vector.shape_cast %get3A_212 : vector<1x16xf32> to vector<16xf32>
      %get3A_214 = arith.index_cast %scan3A_13 : i32 to index
      %get3A_215 = arith.constant 224 : index
      %get3A_216 = tpu.vector_load %arg8[%get3A_214, %get3A_215] {strides = array<i32>} : memref<32x512xf32, #tpu.memory_space<vmem>>, vector<1x16xf32>,
      %get3A_217 = vector.shape_cast %get3A_216 : vector<1x16xf32> to vector<16xf32>
      %mul3A_218 = arith.constant 5.000000e-01 : f32
      %mul3A_219 = vector.broadcast %mul3A_218 : f32 to vector<16xf32>
      %mul3A_220 = arith.mulf %mul3A_219, %get3A_213 : vector<16xf32>
      %sub3A_221 = arith.subf %mul3A_220, %get3A_217 : vector<16xf32>
      %mul3A_222 = arith.mulf %get3A_213, %sub3A_221 : vector<16xf32>
      %add3A_223 = arith.addf %add3A_209, %mul3A_222 : vector<16xf32>
      %get3A_224 = arith.index_cast %scan3A_13 : i32 to index
      %get3A_225 = arith.constant 240 : index
      %get3A_226 = tpu.vector_load %arg7[%get3A_224, %get3A_225] {strides = array<i32>} : memref<32x512xf32, #tpu.memory_space<vmem>>, vector<1x16xf32>,
      %get3A_227 = vector.shape_cast %get3A_226 : vector<1x16xf32> to vector<16xf32>
      %get3A_228 = arith.index_cast %scan3A_13 : i32 to index
      %get3A_229 = arith.constant 240 : index
      %get3A_230 = tpu.vector_load %arg8[%get3A_228, %get3A_229] {strides = array<i32>} : memref<32x512xf32, #tpu.memory_space<vmem>>, vector<1x16xf32>,
      %get3A_231 = vector.shape_cast %get3A_230 : vector<1x16xf32> to vector<16xf32>
      %mul3A_232 = arith.constant 5.000000e-01 : f32
      %mul3A_233 = vector.broadcast %mul3A_232 : f32 to vector<16xf32>
      %mul3A_234 = arith.mulf %mul3A_233, %get3A_227 : vector<16xf32>
      %sub3A_235 = arith.subf %mul3A_234, %get3A_231 : vector<16xf32>
      %mul3A_236 = arith.mulf %get3A_227, %sub3A_235 : vector<16xf32>
      %add3A_237 = arith.addf %add3A_223, %mul3A_236 : vector<16xf32>
      %get3A_238 = arith.index_cast %scan3A_13 : i32 to index
      %get3A_239 = arith.constant 256 : index
      %get3A_240 = tpu.vector_load %arg7[%get3A_238, %get3A_239] {strides = array<i32>} : memref<32x512xf32, #tpu.memory_space<vmem>>, vector<1x16xf32>,
      %get3A_241 = vector.shape_cast %get3A_240 : vector<1x16xf32> to vector<16xf32>
      %get3A_242 = arith.index_cast %scan3A_13 : i32 to index
      %get3A_243 = arith.constant 256 : index
      %get3A_244 = tpu.vector_load %arg8[%get3A_242, %get3A_243] {strides = array<i32>} : memref<32x512xf32, #tpu.memory_space<vmem>>, vector<1x16xf32>,
      %get3A_245 = vector.shape_cast %get3A_244 : vector<1x16xf32> to vector<16xf32>
      %mul3A_246 = arith.constant 5.000000e-01 : f32
      %mul3A_247 = vector.broadcast %mul3A_246 : f32 to vector<16xf32>
      %mul3A_248 = arith.mulf %mul3A_247, %get3A_241 : vector<16xf32>
      %sub3A_249 = arith.subf %mul3A_248, %get3A_245 : vector<16xf32>
      %mul3A_250 = arith.mulf %get3A_241, %sub3A_249 : vector<16xf32>
      %add3A_251 = arith.addf %add3A_237, %mul3A_250 : vector<16xf32>
      %get3A_252 = arith.index_cast %scan3A_13 : i32 to index
      %get3A_253 = arith.constant 272 : index
      %get3A_254 = tpu.vector_load %arg7[%get3A_252, %get3A_253] {strides = array<i32>} : memref<32x512xf32, #tpu.memory_space<vmem>>, vector<1x16xf32>,
      %get3A_255 = vector.shape_cast %get3A_254 : vector<1x16xf32> to vector<16xf32>
      %get3A_256 = arith.index_cast %scan3A_13 : i32 to index
      %get3A_257 = arith.constant 272 : index
      %get3A_258 = tpu.vector_load %arg8[%get3A_256, %get3A_257] {strides = array<i32>} : memref<32x512xf32, #tpu.memory_space<vmem>>, vector<1x16xf32>,
      %get3A_259 = vector.shape_cast %get3A_258 : vector<1x16xf32> to vector<16xf32>
      %mul3A_260 = arith.constant 5.000000e-01 : f32
      %mul3A_261 = vector.broadcast %mul3A_260 : f32 to vector<16xf32>
      %mul3A_262 = arith.mulf %mul3A_261, %get3A_255 : vector<16xf32>
      %sub3A_263 = arith.subf %mul3A_262, %get3A_259 : vector<16xf32>
      %mul3A_264 = arith.mulf %get3A_255, %sub3A_263 : vector<16xf32>
      %add3A_265 = arith.addf %add3A_251, %mul3A_264 : vector<16xf32>
      %get3A_266 = arith.index_cast %scan3A_13 : i32 to index
      %get3A_267 = arith.constant 288 : index
      %get3A_268 = tpu.vector_load %arg7[%get3A_266, %get3A_267] {strides = array<i32>} : memref<32x512xf32, #tpu.memory_space<vmem>>, vector<1x16xf32>,
      %get3A_269 = vector.shape_cast %get3A_268 : vector<1x16xf32> to vector<16xf32>
      %get3A_270 = arith.index_cast %scan3A_13 : i32 to index
      %get3A_271 = arith.constant 288 : index
      %get3A_272 = tpu.vector_load %arg8[%get3A_270, %get3A_271] {strides = array<i32>} : memref<32x512xf32, #tpu.memory_space<vmem>>, vector<1x16xf32>,
      %get3A_273 = vector.shape_cast %get3A_272 : vector<1x16xf32> to vector<16xf32>
      %mul3A_274 = arith.constant 5.000000e-01 : f32
      %mul3A_275 = vector.broadcast %mul3A_274 : f32 to vector<16xf32>
      %mul3A_276 = arith.mulf %mul3A_275, %get3A_269 : vector<16xf32>
      %sub3A_277 = arith.subf %mul3A_276, %get3A_273 : vector<16xf32>
      %mul3A_278 = arith.mulf %get3A_269, %sub3A_277 : vector<16xf32>
      %add3A_279 = arith.addf %add3A_265, %mul3A_278 : vector<16xf32>
      %get3A_280 = arith.index_cast %scan3A_13 : i32 to index
      %get3A_281 = arith.constant 304 : index
      %get3A_282 = tpu.vector_load %arg7[%get3A_280, %get3A_281] {strides = array<i32>} : memref<32x512xf32, #tpu.memory_space<vmem>>, vector<1x16xf32>,
      %get3A_283 = vector.shape_cast %get3A_282 : vector<1x16xf32> to vector<16xf32>
      %get3A_284 = arith.index_cast %scan3A_13 : i32 to index
      %get3A_285 = arith.constant 304 : index
      %get3A_286 = tpu.vector_load %arg8[%get3A_284, %get3A_285] {strides = array<i32>} : memref<32x512xf32, #tpu.memory_space<vmem>>, vector<1x16xf32>,
      %get3A_287 = vector.shape_cast %get3A_286 : vector<1x16xf32> to vector<16xf32>
      %mul3A_288 = arith.constant 5.000000e-01 : f32
      %mul3A_289 = vector.broadcast %mul3A_288 : f32 to vector<16xf32>
      %mul3A_290 = arith.mulf %mul3A_289, %get3A_283 : vector<16xf32>
      %sub3A_291 = arith.subf %mul3A_290, %get3A_287 : vector<16xf32>
      %mul3A_292 = arith.mulf %get3A_283, %sub3A_291 : vector<16xf32>
      %add3A_293 = arith.addf %add3A_279, %mul3A_292 : vector<16xf32>
      %get3A_294 = arith.index_cast %scan3A_13 : i32 to index
      %get3A_295 = arith.constant 320 : index
      %get3A_296 = tpu.vector_load %arg7[%get3A_294, %get3A_295] {strides = array<i32>} : memref<32x512xf32, #tpu.memory_space<vmem>>, vector<1x16xf32>,
      %get3A_297 = vector.shape_cast %get3A_296 : vector<1x16xf32> to vector<16xf32>
      %get3A_298 = arith.index_cast %scan3A_13 : i32 to index
      %get3A_299 = arith.constant 320 : index
      %get3A_300 = tpu.vector_load %arg8[%get3A_298, %get3A_299] {strides = array<i32>} : memref<32x512xf32, #tpu.memory_space<vmem>>, vector<1x16xf32>,
      %get3A_301 = vector.shape_cast %get3A_300 : vector<1x16xf32> to vector<16xf32>
      %mul3A_302 = arith.constant 5.000000e-01 : f32
      %mul3A_303 = vector.broadcast %mul3A_302 : f32 to vector<16xf32>
      %mul3A_304 = arith.mulf %mul3A_303, %get3A_297 : vector<16xf32>
      %sub3A_305 = arith.subf %mul3A_304, %get3A_301 : vector<16xf32>
      %mul3A_306 = arith.mulf %get3A_297, %sub3A_305 : vector<16xf32>
      %add3A_307 = arith.addf %add3A_293, %mul3A_306 : vector<16xf32>
      %get3A_308 = arith.index_cast %scan3A_13 : i32 to index
      %get3A_309 = arith.constant 336 : index
      %get3A_310 = tpu.vector_load %arg7[%get3A_308, %get3A_309] {strides = array<i32>} : memref<32x512xf32, #tpu.memory_space<vmem>>, vector<1x16xf32>,
      %get3A_311 = vector.shape_cast %get3A_310 : vector<1x16xf32> to vector<16xf32>
      %get3A_312 = arith.index_cast %scan3A_13 : i32 to index
      %get3A_313 = arith.constant 336 : index
      %get3A_314 = tpu.vector_load %arg8[%get3A_312, %get3A_313] {strides = array<i32>} : memref<32x512xf32, #tpu.memory_space<vmem>>, vector<1x16xf32>,
      %get3A_315 = vector.shape_cast %get3A_314 : vector<1x16xf32> to vector<16xf32>
      %mul3A_316 = arith.constant 5.000000e-01 : f32
      %mul3A_317 = vector.broadcast %mul3A_316 : f32 to vector<16xf32>
      %mul3A_318 = arith.mulf %mul3A_317, %get3A_311 : vector<16xf32>
      %sub3A_319 = arith.subf %mul3A_318, %get3A_315 : vector<16xf32>
      %mul3A_320 = arith.mulf %get3A_311, %sub3A_319 : vector<16xf32>
      %add3A_321 = arith.addf %add3A_307, %mul3A_320 : vector<16xf32>
      %get3A_322 = arith.index_cast %scan3A_13 : i32 to index
      %get3A_323 = arith.constant 352 : index
      %get3A_324 = tpu.vector_load %arg7[%get3A_322, %get3A_323] {strides = array<i32>} : memref<32x512xf32, #tpu.memory_space<vmem>>, vector<1x16xf32>,
      %get3A_325 = vector.shape_cast %get3A_324 : vector<1x16xf32> to vector<16xf32>
      %get3A_326 = arith.index_cast %scan3A_13 : i32 to index
      %get3A_327 = arith.constant 352 : index
      %get3A_328 = tpu.vector_load %arg8[%get3A_326, %get3A_327] {strides = array<i32>} : memref<32x512xf32, #tpu.memory_space<vmem>>, vector<1x16xf32>,
      %get3A_329 = vector.shape_cast %get3A_328 : vector<1x16xf32> to vector<16xf32>
      %mul3A_330 = arith.constant 5.000000e-01 : f32
      %mul3A_331 = vector.broadcast %mul3A_330 : f32 to vector<16xf32>
      %mul3A_332 = arith.mulf %mul3A_331, %get3A_325 : vector<16xf32>
      %sub3A_333 = arith.subf %mul3A_332, %get3A_329 : vector<16xf32>
      %mul3A_334 = arith.mulf %get3A_325, %sub3A_333 : vector<16xf32>
      %add3A_335 = arith.addf %add3A_321, %mul3A_334 : vector<16xf32>
      %get3A_336 = arith.index_cast %scan3A_13 : i32 to index
      %get3A_337 = arith.constant 368 : index
      %get3A_338 = tpu.vector_load %arg7[%get3A_336, %get3A_337] {strides = array<i32>} : memref<32x512xf32, #tpu.memory_space<vmem>>, vector<1x16xf32>,
      %get3A_339 = vector.shape_cast %get3A_338 : vector<1x16xf32> to vector<16xf32>
      %get3A_340 = arith.index_cast %scan3A_13 : i32 to index
      %get3A_341 = arith.constant 368 : index
      %get3A_342 = tpu.vector_load %arg8[%get3A_340, %get3A_341] {strides = array<i32>} : memref<32x512xf32, #tpu.memory_space<vmem>>, vector<1x16xf32>,
      %get3A_343 = vector.shape_cast %get3A_342 : vector<1x16xf32> to vector<16xf32>
      %mul3A_344 = arith.constant 5.000000e-01 : f32
      %mul3A_345 = vector.broadcast %mul3A_344 : f32 to vector<16xf32>
      %mul3A_346 = arith.mulf %mul3A_345, %get3A_339 : vector<16xf32>
      %sub3A_347 = arith.subf %mul3A_346, %get3A_343 : vector<16xf32>
      %mul3A_348 = arith.mulf %get3A_339, %sub3A_347 : vector<16xf32>
      %add3A_349 = arith.addf %add3A_335, %mul3A_348 : vector<16xf32>
      %get3A_350 = arith.index_cast %scan3A_13 : i32 to index
      %get3A_351 = arith.constant 384 : index
      %get3A_352 = tpu.vector_load %arg7[%get3A_350, %get3A_351] {strides = array<i32>} : memref<32x512xf32, #tpu.memory_space<vmem>>, vector<1x16xf32>,
      %get3A_353 = vector.shape_cast %get3A_352 : vector<1x16xf32> to vector<16xf32>
      %get3A_354 = arith.index_cast %scan3A_13 : i32 to index
      %get3A_355 = arith.constant 384 : index
      %get3A_356 = tpu.vector_load %arg8[%get3A_354, %get3A_355] {strides = array<i32>} : memref<32x512xf32, #tpu.memory_space<vmem>>, vector<1x16xf32>,
      %get3A_357 = vector.shape_cast %get3A_356 : vector<1x16xf32> to vector<16xf32>
      %mul3A_358 = arith.constant 5.000000e-01 : f32
      %mul3A_359 = vector.broadcast %mul3A_358 : f32 to vector<16xf32>
      %mul3A_360 = arith.mulf %mul3A_359, %get3A_353 : vector<16xf32>
      %sub3A_361 = arith.subf %mul3A_360, %get3A_357 : vector<16xf32>
      %mul3A_362 = arith.mulf %get3A_353, %sub3A_361 : vector<16xf32>
      %add3A_363 = arith.addf %add3A_349, %mul3A_362 : vector<16xf32>
      %get3A_364 = arith.index_cast %scan3A_13 : i32 to index
      %get3A_365 = arith.constant 400 : index
      %get3A_366 = tpu.vector_load %arg7[%get3A_364, %get3A_365] {strides = array<i32>} : memref<32x512xf32, #tpu.memory_space<vmem>>, vector<1x16xf32>,
      %get3A_367 = vector.shape_cast %get3A_366 : vector<1x16xf32> to vector<16xf32>
      %get3A_368 = arith.index_cast %scan3A_13 : i32 to index
      %get3A_369 = arith.constant 400 : index
      %get3A_370 = tpu.vector_load %arg8[%get3A_368, %get3A_369] {strides = array<i32>} : memref<32x512xf32, #tpu.memory_space<vmem>>, vector<1x16xf32>,
      %get3A_371 = vector.shape_cast %get3A_370 : vector<1x16xf32> to vector<16xf32>
      %mul3A_372 = arith.constant 5.000000e-01 : f32
      %mul3A_373 = vector.broadcast %mul3A_372 : f32 to vector<16xf32>
      %mul3A_374 = arith.mulf %mul3A_373, %get3A_367 : vector<16xf32>
      %sub3A_375 = arith.subf %mul3A_374, %get3A_371 : vector<16xf32>
      %mul3A_376 = arith.mulf %get3A_367, %sub3A_375 : vector<16xf32>
      %add3A_377 = arith.addf %add3A_363, %mul3A_376 : vector<16xf32>
      %get3A_378 = arith.index_cast %scan3A_13 : i32 to index
      %get3A_379 = arith.constant 416 : index
      %get3A_380 = tpu.vector_load %arg7[%get3A_378, %get3A_379] {strides = array<i32>} : memref<32x512xf32, #tpu.memory_space<vmem>>, vector<1x16xf32>,
      %get3A_381 = vector.shape_cast %get3A_380 : vector<1x16xf32> to vector<16xf32>
      %get3A_382 = arith.index_cast %scan3A_13 : i32 to index
      %get3A_383 = arith.constant 416 : index
      %get3A_384 = tpu.vector_load %arg8[%get3A_382, %get3A_383] {strides = array<i32>} : memref<32x512xf32, #tpu.memory_space<vmem>>, vector<1x16xf32>,
      %get3A_385 = vector.shape_cast %get3A_384 : vector<1x16xf32> to vector<16xf32>
      %mul3A_386 = arith.constant 5.000000e-01 : f32
      %mul3A_387 = vector.broadcast %mul3A_386 : f32 to vector<16xf32>
      %mul3A_388 = arith.mulf %mul3A_387, %get3A_381 : vector<16xf32>
      %sub3A_389 = arith.subf %mul3A_388, %get3A_385 : vector<16xf32>
      %mul3A_390 = arith.mulf %get3A_381, %sub3A_389 : vector<16xf32>
      %add3A_391 = arith.addf %add3A_377, %mul3A_390 : vector<16xf32>
      %get3A_392 = arith.index_cast %scan3A_13 : i32 to index
      %get3A_393 = arith.constant 432 : index
      %get3A_394 = tpu.vector_load %arg7[%get3A_392, %get3A_393] {strides = array<i32>} : memref<32x512xf32, #tpu.memory_space<vmem>>, vector<1x16xf32>,
      %get3A_395 = vector.shape_cast %get3A_394 : vector<1x16xf32> to vector<16xf32>
      %get3A_396 = arith.index_cast %scan3A_13 : i32 to index
      %get3A_397 = arith.constant 432 : index
      %get3A_398 = tpu.vector_load %arg8[%get3A_396, %get3A_397] {strides = array<i32>} : memref<32x512xf32, #tpu.memory_space<vmem>>, vector<1x16xf32>,
      %get3A_399 = vector.shape_cast %get3A_398 : vector<1x16xf32> to vector<16xf32>
      %mul3A_400 = arith.constant 5.000000e-01 : f32
      %mul3A_401 = vector.broadcast %mul3A_400 : f32 to vector<16xf32>
      %mul3A_402 = arith.mulf %mul3A_401, %get3A_395 : vector<16xf32>
      %sub3A_403 = arith.subf %mul3A_402, %get3A_399 : vector<16xf32>
      %mul3A_404 = arith.mulf %get3A_395, %sub3A_403 : vector<16xf32>
      %add3A_405 = arith.addf %add3A_391, %mul3A_404 : vector<16xf32>
      %get3A_406 = arith.index_cast %scan3A_13 : i32 to index
      %get3A_407 = arith.constant 448 : index
      %get3A_408 = tpu.vector_load %arg7[%get3A_406, %get3A_407] {strides = array<i32>} : memref<32x512xf32, #tpu.memory_space<vmem>>, vector<1x16xf32>,
      %get3A_409 = vector.shape_cast %get3A_408 : vector<1x16xf32> to vector<16xf32>
      %get3A_410 = arith.index_cast %scan3A_13 : i32 to index
      %get3A_411 = arith.constant 448 : index
      %get3A_412 = tpu.vector_load %arg8[%get3A_410, %get3A_411] {strides = array<i32>} : memref<32x512xf32, #tpu.memory_space<vmem>>, vector<1x16xf32>,
      %get3A_413 = vector.shape_cast %get3A_412 : vector<1x16xf32> to vector<16xf32>
      %mul3A_414 = arith.constant 5.000000e-01 : f32
      %mul3A_415 = vector.broadcast %mul3A_414 : f32 to vector<16xf32>
      %mul3A_416 = arith.mulf %mul3A_415, %get3A_409 : vector<16xf32>
      %sub3A_417 = arith.subf %mul3A_416, %get3A_413 : vector<16xf32>
      %mul3A_418 = arith.mulf %get3A_409, %sub3A_417 : vector<16xf32>
      %add3A_419 = arith.addf %add3A_405, %mul3A_418 : vector<16xf32>
      %get3A_420 = arith.index_cast %scan3A_13 : i32 to index
      %get3A_421 = arith.constant 464 : index
      %get3A_422 = tpu.vector_load %arg7[%get3A_420, %get3A_421] {strides = array<i32>} : memref<32x512xf32, #tpu.memory_space<vmem>>, vector<1x16xf32>,
      %get3A_423 = vector.shape_cast %get3A_422 : vector<1x16xf32> to vector<16xf32>
      %get3A_424 = arith.index_cast %scan3A_13 : i32 to index
      %get3A_425 = arith.constant 464 : index
      %get3A_426 = tpu.vector_load %arg8[%get3A_424, %get3A_425] {strides = array<i32>} : memref<32x512xf32, #tpu.memory_space<vmem>>, vector<1x16xf32>,
      %get3A_427 = vector.shape_cast %get3A_426 : vector<1x16xf32> to vector<16xf32>
      %mul3A_428 = arith.constant 5.000000e-01 : f32
      %mul3A_429 = vector.broadcast %mul3A_428 : f32 to vector<16xf32>
      %mul3A_430 = arith.mulf %mul3A_429, %get3A_423 : vector<16xf32>
      %sub3A_431 = arith.subf %mul3A_430, %get3A_427 : vector<16xf32>
      %mul3A_432 = arith.mulf %get3A_423, %sub3A_431 : vector<16xf32>
      %add3A_433 = arith.addf %add3A_419, %mul3A_432 : vector<16xf32>
      %get3A_434 = arith.index_cast %scan3A_13 : i32 to index
      %get3A_435 = arith.constant 480 : index
      %get3A_436 = tpu.vector_load %arg7[%get3A_434, %get3A_435] {strides = array<i32>} : memref<32x512xf32, #tpu.memory_space<vmem>>, vector<1x16xf32>,
      %get3A_437 = vector.shape_cast %get3A_436 : vector<1x16xf32> to vector<16xf32>
      %get3A_438 = arith.index_cast %scan3A_13 : i32 to index
      %get3A_439 = arith.constant 480 : index
      %get3A_440 = tpu.vector_load %arg8[%get3A_438, %get3A_439] {strides = array<i32>} : memref<32x512xf32, #tpu.memory_space<vmem>>, vector<1x16xf32>,
      %get3A_441 = vector.shape_cast %get3A_440 : vector<1x16xf32> to vector<16xf32>
      %mul3A_442 = arith.constant 5.000000e-01 : f32
      %mul3A_443 = vector.broadcast %mul3A_442 : f32 to vector<16xf32>
      %mul3A_444 = arith.mulf %mul3A_443, %get3A_437 : vector<16xf32>
      %sub3A_445 = arith.subf %mul3A_444, %get3A_441 : vector<16xf32>
      %mul3A_446 = arith.mulf %get3A_437, %sub3A_445 : vector<16xf32>
      %add3A_447 = arith.addf %add3A_433, %mul3A_446 : vector<16xf32>
      %get3A_448 = arith.index_cast %scan3A_13 : i32 to index
      %get3A_449 = arith.constant 496 : index
      %get3A_450 = tpu.vector_load %arg7[%get3A_448, %get3A_449] {strides = array<i32>} : memref<32x512xf32, #tpu.memory_space<vmem>>, vector<1x16xf32>,
      %get3A_451 = vector.shape_cast %get3A_450 : vector<1x16xf32> to vector<16xf32>
      %get3A_452 = arith.index_cast %scan3A_13 : i32 to index
      %get3A_453 = arith.constant 496 : index
      %get3A_454 = tpu.vector_load %arg8[%get3A_452, %get3A_453] {strides = array<i32>} : memref<32x512xf32, #tpu.memory_space<vmem>>, vector<1x16xf32>,
      %get3A_455 = vector.shape_cast %get3A_454 : vector<1x16xf32> to vector<16xf32>
      %mul3A_456 = arith.constant 5.000000e-01 : f32
      %mul3A_457 = vector.broadcast %mul3A_456 : f32 to vector<16xf32>
      %mul3A_458 = arith.mulf %mul3A_457, %get3A_451 : vector<16xf32>
      %sub3A_459 = arith.subf %mul3A_458, %get3A_455 : vector<16xf32>
      %mul3A_460 = arith.mulf %get3A_451, %sub3A_459 : vector<16xf32>
      %add3A_461 = arith.addf %add3A_447, %mul3A_460 : vector<16xf32>
      %swap3A = arith.index_cast %scan3A_13 : i32 to index
      %swap3A_462 = arith.constant 0 : index
      %swap3A_463 = tpu.vector_load %arg9[%swap3A, %swap3A_462] {strides = array<i32>} : memref<32x16xf32, #tpu.memory_space<vmem>>, vector<1x16xf32>,
      %swap3A_464 = vector.shape_cast %swap3A_463 : vector<1x16xf32> to vector<16xf32>
      %swap3A_465 = vector.shape_cast %add3A_461 : vector<16xf32> to vector<1x16xf32>
      tpu.vector_store %arg9[%swap3A, %swap3A_462], %swap3A_465 {strides = array<i32>} : memref<32x16xf32, #tpu.memory_space<vmem>>, vector<1x16xf32>,
      %scan3A_466 = arith.constant 0 : i32
      scf.yield %scan3A_466 : i32
    }
    %scan3A_12 = arith.constant 32 : i32
    "tpu.region"() ({
      %run_scoped3A = tpu.sem_alloc : memref<!tpu.dma_semaphore, #tpu.memory_space<semaphore_mem>>
      %dma_start3A_13 = arith.constant 0 : i32
      %dma_start3A_14 = tpu.memref_slice %arg5[%mul3A_2, %dma_start3A_13] : memref<1024x16xf32, #tpu.memory_space<hbm>> -> memref<32x16xf32, #tpu.memory_space<hbm>>
      %dma_start3A_15 = arith.constant 0 : i32
      %dma_start3A_16 = tpu.memref_slice %arg5[%mul3A_2, %dma_start3A_15] : memref<1024x16xf32, #tpu.memory_space<hbm>> -> memref<32x16xf32, #tpu.memory_space<hbm>>
      tpu.enqueue_dma source(%arg9 : memref<32x16xf32, #tpu.memory_space<vmem>>) target(%dma_start3A_16 : memref<32x16xf32, #tpu.memory_space<hbm>>) target_semaphore(%run_scoped3A : memref<!tpu.dma_semaphore, #tpu.memory_space<semaphore_mem>>)
      %dma_wait3A_17 = arith.constant 0 : i32
      %dma_wait3A_18 = tpu.memref_slice %arg5[%mul3A_2, %dma_wait3A_17] : memref<1024x16xf32, #tpu.memory_space<hbm>> -> memref<32x16xf32, #tpu.memory_space<hbm>>
      %dma_wait3A_19 = arith.constant 0 : i32
      %dma_wait3A_20 = tpu.memref_slice %arg5[%mul3A_2, %dma_wait3A_19] : memref<1024x16xf32, #tpu.memory_space<hbm>> -> memref<32x16xf32, #tpu.memory_space<hbm>>
      tpu.wait_dma2 semaphore(%run_scoped3A : memref<!tpu.dma_semaphore, #tpu.memory_space<semaphore_mem>>) src(%arg9 : memref<32x16xf32, #tpu.memory_space<vmem>>) dst(%dma_wait3A_20 : memref<32x16xf32, #tpu.memory_space<hbm>>)
      tpu.yield
    }) : () -> ()
    return
  }
}

module attributes {stable_mosaic.version = 14 : i64} {
  func.func @_tc_combine_body(%arg0: i32, %arg1: memref<1024x1xf32, #tpu.memory_space<vmem>>, %arg2: memref<1024x16xf32, #tpu.memory_space<vmem>>, %arg3: memref<1x1xf32, #tpu.memory_space<smem>>) attributes {dimension_semantics = [#tpu.dimension_semantics<arbitrary>], iteration_bounds = array<i64: 1>, scalar_prefetch = 0 : i64, scratch_operands = 0 : i64, tpu.core_type = #tpu.core_type<tc>, window_params = [{pipeline_mode = #tpu.pipeline_mode<synchronous>, transform_indices = @transform_0, window_bounds = array<i64: 1024, 1>}, {pipeline_mode = #tpu.pipeline_mode<synchronous>, transform_indices = @transform_1, window_bounds = array<i64: 1024, 16>}, {transform_indices = @transform_2, window_bounds = array<i64: 1, 1>}]} {
    %get3A = arith.constant 0 : index
    %get3A_0 = arith.constant 0 : index
    %get3A_1 = vector.load %arg2[%get3A, %get3A_0] : memref<1024x16xf32, #tpu.memory_space<vmem>>, vector<1024x16xf32>
    %reduce_sum3A = arith.constant dense<0.000000e+00> : vector<1024xf32>
    %reduce_sum3A_2 = vector.multi_reduction <add>, %get3A_1, %reduce_sum3A [1] : vector<1024x16xf32> to vector<1024xf32>
    %broadcast_in_dim3A = vector.shape_cast %reduce_sum3A_2 : vector<1024xf32> to vector<1024x1xf32>
    %get3A_3 = arith.constant 0 : index
    %get3A_4 = arith.constant 0 : index
    %get3A_5 = vector.load %arg1[%get3A_3, %get3A_4] : memref<1024x1xf32, #tpu.memory_space<vmem>>, vector<1024x1xf32>
    %sub3A = arith.subf %broadcast_in_dim3A, %get3A_5 : vector<1024x1xf32>
    %add3A = arith.constant 5.000000e+00 : f32
    %add3A_6 = vector.broadcast %add3A : f32 to vector<1024x1xf32>
    %add3A_7 = arith.addf %sub3A, %add3A_6 : vector<1024x1xf32>
    %exp3A = math.exp %add3A_7 : vector<1024x1xf32>
    %log1p3A = math.log1p %exp3A : vector<1024x1xf32>
    %reduce_sum3A_8 = vector.shape_cast %log1p3A : vector<1024x1xf32> to vector<1x1024x1xf32>
    %reduce_sum3A_9 = arith.constant dense<0.000000e+00> : vector<1xf32>
    %reduce_sum3A_10 = vector.multi_reduction <add>, %reduce_sum3A_8, %reduce_sum3A_9 [1, 2] : vector<1x1024x1xf32> to vector<1xf32>
    %reduce_sum3A_11 = vector.shape_cast %reduce_sum3A_10 : vector<1xf32> to vector<1x1x1xf32>
    %reduce_sum3A_12 = vector.extract %reduce_sum3A_11[0, 0, 0] : f32 from vector<1x1x1xf32>
    %div3A = arith.constant 1.024000e+03 : f32
    %div3A_13 = arith.divf %reduce_sum3A_12, %div3A : f32
    %swap3A = arith.constant 0 : index
    %swap3A_14 = arith.constant 0 : index
    %swap3A_15 = memref.load %arg3[%swap3A, %swap3A_14] : memref<1x1xf32, #tpu.memory_space<smem>>
    memref.store %div3A_13, %arg3[%swap3A, %swap3A_14] : memref<1x1xf32, #tpu.memory_space<smem>>
    return
  }
  func.func @transform_0(%arg0: i32) -> (i32, i32) {
    %c0_i32 = arith.constant 0 : i32
    %c0_i32_0 = arith.constant 0 : i32
    %c0_i32_1 = arith.constant 0 : i32
    return %c0_i32, %c0_i32_0 : i32, i32
  }
  func.func @transform_1(%arg0: i32) -> (i32, i32) {
    %c0_i32 = arith.constant 0 : i32
    %c0_i32_0 = arith.constant 0 : i32
    %c0_i32_1 = arith.constant 0 : i32
    return %c0_i32, %c0_i32_0 : i32, i32
  }
  func.func @transform_2(%arg0: i32) -> (i32, i32) {
    %c0_i32 = arith.constant 0 : i32
    %c0_i32_0 = arith.constant 0 : i32
    %c0_i32_1 = arith.constant 0 : i32
    return %c0_i32, %c0_i32_0 : i32, i32
  }
}

module attributes {stable_mosaic.version = 14 : i64} {
  func.func @_tc_neg_body(%arg0: i32, %arg1: memref<1024x512xf32, #tpu.memory_space<vmem>>, %arg2: memref<1000x512xf32, #tpu.memory_space<vmem>>, %arg3: memref<1024xi32, #tpu.memory_space<vmem>>, %arg4: memref<1024x1xf32, #tpu.memory_space<vmem>>, %arg5: memref<1x1000xf32, #tpu.memory_space<vmem>>, %arg6: memref<1024x1xi32, #tpu.memory_space<vmem>>) attributes {dimension_semantics = [#tpu.dimension_semantics<arbitrary>], iteration_bounds = array<i64: 1>, scalar_prefetch = 0 : i64, scratch_operands = 2 : i64, tpu.core_type = #tpu.core_type<tc>, window_params = [{pipeline_mode = #tpu.pipeline_mode<synchronous>, transform_indices = @transform_0, window_bounds = array<i64: 1024, 512>}, {pipeline_mode = #tpu.pipeline_mode<synchronous>, transform_indices = @transform_1, window_bounds = array<i64: 1000, 512>}, {pipeline_mode = #tpu.pipeline_mode<synchronous>, transform_indices = @transform_2, window_bounds = array<i64: 1024>}, {pipeline_mode = #tpu.pipeline_mode<synchronous>, transform_indices = @transform_3, window_bounds = array<i64: 1024, 1>}]} {
    %get3A = arith.constant 0 : index
    %get3A_0 = arith.constant 0 : index
    %get3A_1 = vector.load %arg2[%get3A, %get3A_0] : memref<1000x512xf32, #tpu.memory_space<vmem>>, vector<1000x512xf32>
    %mul3A = arith.mulf %get3A_1, %get3A_1 : vector<1000x512xf32>
    %reduce_sum3A = arith.constant dense<0.000000e+00> : vector<1000xf32>
    %reduce_sum3A_2 = vector.multi_reduction <add>, %mul3A, %reduce_sum3A [1] : vector<1000x512xf32> to vector<1000xf32>
    %broadcast_in_dim3A = vector.shape_cast %reduce_sum3A_2 : vector<1000xf32> to vector<1x1000xf32>
    %mul3A_3 = arith.constant 5.000000e-01 : f32
    %mul3A_4 = vector.broadcast %mul3A_3 : f32 to vector<1x1000xf32>
    %mul3A_5 = arith.mulf %mul3A_4, %broadcast_in_dim3A : vector<1x1000xf32>
    %swap3A = arith.constant 0 : index
    %swap3A_6 = arith.constant 0 : index
    %swap3A_7 = vector.load %arg5[%swap3A, %swap3A_6] : memref<1x1000xf32, #tpu.memory_space<vmem>>, vector<1x1000xf32>
    tpu.vector_store %arg5[%swap3A, %swap3A_6], %mul3A_5 {strides = array<i32>} : memref<1x1000xf32, #tpu.memory_space<vmem>>, vector<1x1000xf32>,
    %get3A_8 = arith.constant 0 : index
    %get3A_9 = vector.load %arg3[%get3A_8] : memref<1024xi32, #tpu.memory_space<vmem>>, vector<1024xi32>
    %reshape3A = vector.shape_cast %get3A_9 : vector<1024xi32> to vector<1024x1xi32>
    %swap3A_10 = arith.constant 0 : index
    %swap3A_11 = arith.constant 0 : index
    %swap3A_12 = vector.load %arg6[%swap3A_10, %swap3A_11] : memref<1024x1xi32, #tpu.memory_space<vmem>>, vector<1024x1xi32>
    tpu.vector_store %arg6[%swap3A_10, %swap3A_11], %reshape3A {strides = array<i32>} : memref<1024x1xi32, #tpu.memory_space<vmem>>, vector<1024x1xi32>,
    %get3A_13 = arith.constant 0 : index
    %get3A_14 = arith.constant 0 : index
    %get3A_15 = vector.load %arg1[%get3A_13, %get3A_14] : memref<1024x512xf32, #tpu.memory_space<vmem>>, vector<1024x512xf32>
    %dot_general3A = arith.constant dense<0.000000e+00> : vector<1024x1000xf32>
    %dot_general3A_16 = tpu.matmul %get3A_15, %get3A_1, %dot_general3A {dimension_numbers = #tpu.dot_dimension_numbers<[1], [1], [0], [0], [0, 0, 1, 0], [], []>, transpose_lhs_hint = false} : vector<1024x512xf32>, vector<1000x512xf32>, vector<1024x1000xf32> -> vector<1024x1000xf32>
    %get3A_17 = arith.constant 0 : index
    %get3A_18 = arith.constant 0 : index
    %get3A_19 = vector.load %arg5[%get3A_17, %get3A_18] : memref<1x1000xf32, #tpu.memory_space<vmem>>, vector<1x1000xf32>
    %sub3A = vector.broadcast %get3A_19 : vector<1x1000xf32> to vector<1024x1000xf32>
    %sub3A_20 = arith.subf %sub3A, %dot_general3A_16 : vector<1024x1000xf32>
    %iota3A = tpu.iota {dimensions = array<i32: 1>} : vector<1024x1000xi32>
    %get3A_21 = arith.constant 0 : index
    %get3A_22 = arith.constant 0 : index
    %get3A_23 = vector.load %arg6[%get3A_21, %get3A_22] : memref<1024x1xi32, #tpu.memory_space<vmem>>, vector<1024x1xi32>
    %eq3A = vector.broadcast %get3A_23 : vector<1024x1xi32> to vector<1024x1000xi32>
    %eq3A_24 = arith.cmpi eq, %iota3A, %eq3A : vector<1024x1000xi32>
    %jit3A = arith.constant 0x7F800000 : f32
    %broadcast_in_dim3A_25 = vector.broadcast %jit3A : f32 to vector<1024x1000xf32>
    %select_n3A = arith.select %eq3A_24, %broadcast_in_dim3A_25, %sub3A_20 : vector<1024x1000xi1>, vector<1024x1000xf32>
    %reduce_min3A = arith.constant dense<0x7F800000> : vector<1024xf32>
    %reduce_min3A_26 = vector.multi_reduction <minimumf>, %select_n3A, %reduce_min3A [1] : vector<1024x1000xf32> to vector<1024xf32>
    %broadcast_in_dim3A_27 = vector.shape_cast %reduce_min3A_26 : vector<1024xf32> to vector<1024x1xf32>
    %swap3A_28 = arith.constant 0 : index
    %swap3A_29 = arith.constant 0 : index
    %swap3A_30 = vector.load %arg4[%swap3A_28, %swap3A_29] : memref<1024x1xf32, #tpu.memory_space<vmem>>, vector<1024x1xf32>
    tpu.vector_store %arg4[%swap3A_28, %swap3A_29], %broadcast_in_dim3A_27 {strides = array<i32>} : memref<1024x1xf32, #tpu.memory_space<vmem>>, vector<1024x1xf32>,
    return
  }
  func.func @transform_0(%arg0: i32) -> (i32, i32) {
    %c0_i32 = arith.constant 0 : i32
    %c0_i32_0 = arith.constant 0 : i32
    %c0_i32_1 = arith.constant 0 : i32
    return %c0_i32, %c0_i32_0 : i32, i32
  }
  func.func @transform_1(%arg0: i32) -> (i32, i32) {
    %c0_i32 = arith.constant 0 : i32
    %c0_i32_0 = arith.constant 0 : i32
    %c0_i32_1 = arith.constant 0 : i32
    return %c0_i32, %c0_i32_0 : i32, i32
  }
  func.func @transform_2(%arg0: i32) -> i32 {
    %c0_i32 = arith.constant 0 : i32
    %c0_i32_0 = arith.constant 0 : i32
    return %c0_i32 : i32
  }
  func.func @transform_3(%arg0: i32) -> (i32, i32) {
    %c0_i32 = arith.constant 0 : i32
    %c0_i32_0 = arith.constant 0 : i32
    %c0_i32_1 = arith.constant 0 : i32
    return %c0_i32, %c0_i32_0 : i32, i32
  }
}

</mosaic_0001>

<sc_bundles>
// kernel: kernel.5.cloned.1.call-start
scs
__scs_entry_jumppad:
0x0: {  	(pc) =	sbr.rel $0x88, $3  }
0x1: {  	(tag) =	ssettag $0x0;
	lr =	simm.s32 $0x1  }
0x2: {  	[smem:$0x3F9E] =	sst lr;
	_ =	strace $0xD0000000  }
0x3: {  	_ = 	snop  }
0x4: {  	_ = 	snop  }
0x5: {  	_ = 	snop  }
0x6: {  	_ = 	snop  }
0x7: {  	_ = 	snop  }
__scs_overlays_trampoline_lowered:
0x8: {  	[smem:$0x3FAD] =	sst s0  }
0x9: {  	[smem:$0x3FAE] =	sst s1  }
0xa: {  	[smem:$0x3FAF] =	sst s2  }
0xb: {  	[smem:$0x3FB0] =	sst s3  }
0xc: {  	[smem:$0x3FB1] =	sst s4  }
0xd: {  	[smem:$0x3FB2] =	sst s5  }
0xe: {  	[smem:$0x3FB3] =	sst s6  }
0xf: {  	[smem:$0x3FB4] =	sst s7  }
0x10: {  	[smem:$0x3FB5] =	sst s8  }
0x11: {  	[smem:$0x3FB6] =	sst s9;
	s0 =	simm.s32 @!p0 $0x0  }
0x12: {  	s1 =	sld [smem:$0x3F9C];
	s0 =	simm.s32 @p0 $0x1  }
0x13: {  	[smem:$0x3FB7] =	sst s0;
	s0 =	simm.s32 @!p1 $0x0  }
0x14: {  	s2 =	sld [smem:$0x3F9B];
	s0 =	simm.s32 @p1 $0x1  }
0x15: {  	[smem:$0x3FB8] =	sst s0;
	s0 =	simm.s32 @!p2 $0x0  }
0x16: {  	s3 =	sld [smem:$0x3FDB];
	s0 =	simm.s32 @p2 $0x1  }
0x17: {  	s4 =	simm.s32 $0x1BF5;
	[smem:$0x3FBA] =	sst s0  }
0x18: {  	s0 =	sld [smem:$0x3F9D];
	_ =	swait.ge [sflag:s4], $0x0  }
0x19: {  	s7 =	sld [smem:$0x3F9E]  }
0x1a: {  	s8 =	sadd.s32 $0xFFFFE003, lr  }
0x1b: {  	s9 =	sadd.s32 $0xFFFFFEF7, lr;
	s5 =	simm.s32 $0xFFFFFFFF;
	p2 =	slt.u32 s8, $0xFFFFF086  }
0x1c: {  	p1 =	slt.u32 s9, $0xF7A;
	s5 =	simm.s32 @!p2 $0x0  }
0x1d: {  	s5 =	simm.s32 @p1 $0x1;
	p0 =	seq.s32 s7, s2  }
0x1e: {  	s7 =	smul.u32 @!p0 $0xF7A, s2;
	p2 =	seq.s32 @!p0 s5, $0x0  }
0x1f: {  	s9 =	smul.u32 $0xF7A, s1;
	s8 =	simm.s32 @!p0 $0x1BF5;
	p2 =	por !p2, p0  }
0x20: {  	[sflag:s8] =	ssyncset.s32 @!p0 $0xFFFFF086;
	s6 =	sadd.s32 @!p0 s3, s7;
	s7 =	simm.s32 @!p0 $0x108  }
0x21: {  	s3 =	sadd.s32 s3, s9;
	s6 =	sadd.s32 @!p0 $0x88, s6;
	s7 =	simm.s32 @p2 $0x1082  }
0x22: {  	[simem:s7], [sflag:s8] =	dma.local @!p0 [hbm:s6], $0xF7A  }
0x23: {  	s9 =	sor.u32 $0xD0000000, s2;
	s6 =	simm.s32 $0x108;
	_ =	swait.ge @!p0 [sflag:s8], $0x0  }
0x24: {  	s3 =	sadd.s32 $0x88, s3;
	s6 =	simm.s32 @!p1 $0x1082;
	[sflag:s4] =	ssyncset.s32 $0xFFFFF086  }
0x25: {  	[simem:s6], [sflag:s4] =	dma.local [hbm:s3], $0xF7A  }
0x26: {  	[smem:$0x3F9E] =	sst s1;
	(tag) =	ssettag s2;
	_ =	strace s9  }
0x27: {  	s1 =	sld [smem:$0x3FAE]  }
0x28: {  	s2 =	sld [smem:$0x3FAF]  }
0x29: {  	s4 =	sld [smem:$0x3FB1]  }
0x2a: {  	p0 =	seq.s32 s5, $0x0;
	s5 =	sld [smem:$0x3FB2]  }
0x2b: {  	s6 =	sld [smem:$0x3FB3]  }
0x2c: {  	s7 =	sld [smem:$0x3FB4]  }
0x2d: {  	s3 =	simm.s32 $0x108;
	s8 =	sld [smem:$0x3FB5]  }
0x2e: {  	s3 =	simm.s32 @!p0 $0x1082;
	s9 =	sld [smem:$0x3FB6]  }
0x2f: {  	lr =	sadd.s32 s0, s3;
	s0 =	sld [smem:$0x3FAD]  }
0x30: {  	s3 =	sld [smem:$0x3FB0]  }
0x31: {  	[smem:$0x3FB9] =	sst s10  }
0x32: {  	s10 =	sld [smem:$0x3FB7];
	_ =	sdelay $0x3  }
0x33: {  	p0 =	seq.s32 s10, $0x1;
	s10 =	sld [smem:$0x3FB9];
	_ =	sdelay $0x3  }
0x34: {  	[smem:$0x3FB9] =	sst s10  }
0x35: {  	s10 =	sld [smem:$0x3FB8];
	_ =	sdelay $0x3  }
0x36: {  	p1 =	seq.s32 s10, $0x1;
	s10 =	sld [smem:$0x3FB9];
	_ =	sdelay $0x3  }
0x37: {  	[smem:$0x3FB9] =	sst s10  }
0x38: {  	s10 =	sld [smem:$0x3FBA]  }
0x39: {  	_ = 	snop;
	(pc) =	sbr.ind lr, $3  }
0x3a: {  	_ = 	snop  }
0x3b: {  	_ = 	snop  }
0x3c: {  	p2 =	seq.s32 s10, $0x1;
	s10 =	sld [smem:$0x3FB9]  }
0x3d: {  	_ =	shalt  }
0x3e: {  	_ =	shalt  }
0x3f: {  	_ =	shalt  }
0x40: {  	_ =	shalt  }
0x41: {  	_ =	shalt  }
0x42: {  	_ =	shalt  }
0x43: {  	_ =	shalt  }
0x44: {  	_ =	shalt  }
0x45: {  	_ =	shalt  }
0x46: {  	_ =	shalt  }
0x47: {  	_ =	shalt  }
0x48: {  	_ =	shalt  }
0x49: {  	_ =	shalt  }
0x4a: {  	_ =	shalt  }
0x4b: {  	_ =	shalt  }
0x4c: {  	_ =	shalt  }
0x4d: {  	_ =	shalt  }
0x4e: {  	_ =	shalt  }
0x4f: {  	_ =	shalt  }
0x50: {  	_ =	shalt  }
0x51: {  	_ =	shalt  }
0x52: {  	_ =	shalt  }
0x53: {  	_ =	shalt  }
0x54: {  	_ =	shalt  }
0x55: {  	_ =	shalt  }
0x56: {  	_ =	shalt  }
0x57: {  	_ =	shalt  }
0x58: {  	_ =	shalt  }
0x59: {  	_ =	shalt  }
0x5a: {  	_ =	shalt  }
0x5b: {  	_ =	shalt  }
0x5c: {  	_ =	shalt  }
0x5d: {  	_ =	shalt  }
0x5e: {  	_ =	shalt  }
0x5f: {  	_ =	shalt  }
0x60: {  	_ =	shalt  }
0x61: {  	_ =	shalt  }
0x62: {  	_ =	shalt  }
0x63: {  	_ =	shalt  }
0x64: {  	_ =	shalt  }
0x65: {  	_ =	shalt  }
0x66: {  	_ =	shalt  }
0x67: {  	_ =	shalt  }
0x68: {  	_ =	shalt  }
0x69: {  	_ =	shalt  }
0x6a: {  	_ =	shalt  }
0x6b: {  	_ =	shalt  }
0x6c: {  	_ =	shalt  }
0x6d: {  	_ =	shalt  }
0x6e: {  	_ =	shalt  }
0x6f: {  	_ =	shalt  }
0x70: {  	_ =	shalt  }
0x71: {  	_ =	shalt  }
0x72: {  	_ =	shalt  }
0x73: {  	_ =	shalt  }
0x74: {  	_ =	shalt  }
0x75: {  	_ =	shalt  }
0x76: {  	_ =	shalt  }
0x77: {  	_ =	shalt  }
0x78: {  	_ =	shalt  }
0x79: {  	_ =	shalt  }
0x7a: {  	_ =	shalt  }
0x7b: {  	_ =	shalt  }
0x7c: {  	_ =	shalt  }
0x7d: {  	_ =	shalt  }
0x7e: {  	_ =	shalt  }
0x7f: {  	_ =	shalt  }
0x80: {  	_ =	shalt  }
0x81: {  	_ =	shalt  }
0x82: {  	_ =	shalt  }
0x83: {  	_ =	shalt  }
0x84: {  	_ =	shalt  }
0x85: {  	_ =	shalt  }
0x86: {  	_ =	shalt  }
0x87: {  	_ =	shalt  }
.Lfunc_end0:
.L_simem_size_0:
called_computation_lowered:
.L_overlay_start_0:
0x88: {  	s2 =	sld [smem:$0x3FD9]  }
0x89: {  	s3 =	sld [smem:$0x3FFE];
	_ =	sdelay $0x1  }
0x8a: {  	s1 =	srdreg.scid  }
0x8b: {  	s0 =	sand.u32 $0x1, s1  }
0x8c: {  	s17 =	sshll.u32 s0, $0xA;
	s2 =	sadd.s32 s3, s2  }
0x8d: {  	s2 =	sadd.s32 s2, s17  }
0x8e: {  	[smem:$0x3FC5] =	sst s2  }
0x8f: {  	_ = 	snop  }
0x90: {  	s2 =	sld [smem:$0x3FC9]  }
0x91: {  	s18 =	sld [smem:$0x3FC8]  }
0x92: {  	s4 =	sld [smem:$0x3FC7];
	(tm) =	ssettm $0x1  }
0x93: {  	s5 =	sld [smem:$0x3FFB];
	_ =	sdelay $0x3  }
0x94: {  	_ =	strace s5  }
0x95: {  	s5 =	sld [smem:$0x3FFC];
	_ =	sdelay $0x3  }
0x96: {  	_ =	strace s5  }
0x97: {  	s5 =	sld [smem:$0x3FFD];
	_ =	sdelay $0x3  }
0x98: {  	_ =	strace s5  }
0x99: {  	_ =	strace $0x8FFFFFFF  }
0x9a: {  	s19 =	sld [smem:$0x3FDB];
	_ =	sdelay $0x1  }
0x9b: {  	s6 =	simm.s32 $_scs_section_size  }
0x9c: {  	s7 =	simm.s32 $_size__tile_overlayer_lowered;
	s8 =	simm.s32 $_tile_overlayer_lowered  }
0x9d: {  	s22 =	simm.s32 $0x1BFF;
	s21 =	sshll.u32 s8, $0x1;
	s5 =	sadd.s32 s6, s19  }
0x9e: {  	s9 =	simm.s32 $0x0;
	s20 =	sshll.u32 s7, $0x1;
	s7 =	sadd.s32 s21, s5  }
0x9f: {  	[timem:s9], [sflag:s22] =	dma.local [hbm:s7], s20  }
0xa0: {  	_ =	swait.ge [sflag:s22], s20  }
0xa1: {  	s6 =	ssub.s32 $0x0, s20;
	[sflag:s22] =	ssyncset.done $0x0  }
0xa2: {  	[sflag:s22] =	ssyncadd.s32 s6;
	_ =	sdelay $0x1  }
0xa3: {  	s23 =	simm.s32 $0x1B8B  }
0xa4: {  	_ =	swait.ge [sflag:s23], $0x1  }
0xa5: {  	[sflag:s23] =	ssyncset.done $0x0  }
0xa6: {  	s25 =	simm.s32 $0x1B8E;
	s24 =	sld [smem:$0x3FFE];
	[sflag:s23] =	ssyncadd.s32 $0xFFFFFFFF  }
0xa7: {  	s26 =	simm.s32 $execute0_lowered;
	[smem:$0x3FD2] =	sst s25  }
0xa8: {  	s7 =	sshll.u32 s26, $0x1;
	_ =	strace $0x80000046;
	[dreg:$0x1] =	wrdreg $0xFFFFFFFF  }
0xa9: {  	s28 =	simm.s32 $_size_execute0_lowered;
	s5 =	sadd.s32 s5, s7;
	[dreg:$0x0] =	wrdreg $0x0  }
0xaa: {  	s7 =	sshll.u32 s28, $0x1;
	[dreg:$0x2] =	wrdreg s5  }
0xab: {  	[dreg:$0x3] =	wrdreg s7  }
0xac: {  	[dreg:$0x4] =	wrdreg $0xC0  }
0xad: {  	_ =	task [dreg:s9], $0x5FFFF  }
0xae: {  	[dreg:$0x1] =	wrdreg $0xFFFFFFFF  }
0xaf: {  	[dreg:$0x0] =	wrdreg $0x60  }
0xb0: {  	[dreg:$0x2] =	wrdreg s2  }
0xb1: {  	[dreg:$0x3] =	wrdreg s18  }
0xb2: {  	[dreg:$0x4] =	wrdreg s4  }
0xb3: {  	[dreg:$0x5] =	wrdreg s24  }
0xb4: {  	[dreg:$0x6] =	wrdreg $0x9  }
0xb5: {  	_ =	task.clear_ibuf [dreg:s9], $0x7FFFF;
	_ =	strace $0x90000046  }
0xb6: {  	s29 =	simm.s32 $0x9;
	_ =	strace $0x80000048  }
0xb7: {  	_ =	swait.ge [sflag:s29], $0x1  }
0xb8: {  	[sflag:s29] =	ssyncadd.s32 $0xFFFFFFFF  }
0xb9: {  	_ =	strace $0x90000048  }
0xba: {  	_ =	sfence  }
0xbb: {  	s30 =	sld [smem:$0x0];
	_ =	sdelay $0x2  }
0xbc: {  	s31 =	sshll.u32 s1, $0xD;
	s1 =	sshrl.u32 s1, $0x2  }
0xbd: {  	s3 =	sand.u32 $0x4000, s31;
	s1 =	sadd.s32 s1, s30  }
0xbe: {  	s0 =	sor.u32 s3, s0;
	s1 =	sshll.u32 s1, $0x11  }
0xbf: {  	s0 =	sor.u32 s1, s0  }
0xc0: {  	s0 =	sadd.s32 $0x8F2B, s0  }
0xc1: {  	[sflag:s0] =	ssyncadd.remote.s32 $0x1  }
0xc2: {  	_ =	sfence.sel $0xFFFF  }
0xc3: {  	[dreg:$0x0] =	wrdreg $0xFFFFFFFF;
	(pc) =	sbr.abs _section_cstart, $3  }
0xc4: {  	[dreg:$0x1] =	wrdreg $0xFFFFFFFF  }
0xc5: {  	_ =	task.clear_ibuf [dreg:s9], $0x2FFFF;
	_ =	strace $0x9FFFFFFF  }
0xc6: {  	(tm) =	ssettm $0x7FFFFFFF  }
0xc7: {  	_ =	shalt  }
tec
execute0_lowered:
.L_overlay_start_1:
0x0: {  	(tag) =	ssettag $0x1  }
0x1: {  	s6 =	rddreg [dreg:$0x0]  }
0x2: {  	s4 =	rddreg [dreg:$0x1]  }
0x3: {  	s1 =	srdreg.scid;
	s2 =	rddreg [dreg:$0x2]  }
0x4: {  	s0 =	stileid.u32;
	s7 =	rddreg [dreg:$0x3]  }
0x5: {  	s3 =	simm.s32 $0x0;
	s10 =	simm.s32 $0x80;
	s11 =	simm.s32 $0x880  }
0x6: {  	s12 =	simm.s32 $0x1080;
	s13 =	simm.s32 $0x1880;
	s14 =	simm.s32 $0x2080  }
0x7: {  	s15 =	simm.s32 $0x2880;
	s16 =	simm.s32 $0x3080;
	s17 =	simm.s32 $0x3880  }
0x8: {  	s18 =	simm.s32 $0x1;
	s19 =	simm.s32 $0x4080;
	s20 =	simm.s32 $0x8080  }
0x9: {  	s21 =	simm.s32 $0x0;
	s5 =	sand.u32 $0x1, s1;
	s1 =	rddreg [dreg:$0x4]  }
0xa: {  	s8 =	sshll.u32 s0, $0x6;
	[smem:$0x7FF] =	sst s3;
	s9 =	sshll.u32 s5, $0x5  }
0xb: {  	s5 =	ssub.s32 $0x2, s5;
	_ =	strace $0x80000047;
	s8 =	sor.u32 s9, s8  }
0xc: {  	s30 =	sshrl.u32 s5, $0x1;
	s9 =	sshll.u32 s8, $0x4;
	s31 =	sshrl.u32 s8, $0x3  }
0xd: {  	v2 =	vlaneseq.u32;
	s8 =	sshll.u32 s8, $0x6;
	s7 =	sadd.s32 s9, s7;
	s9 =	ssub.s32 s5, s30  }
0xe: {  	vm0 =	vmmov $0xffff;
	v1 =	vshrl.u32 v2, $0x3;
	s4 =	sadd.s32 s4, s31;
	s5 =	sadd.s32 $0x100, s2;
	s6 =	sadd.s32 s6, s8  }
0xf: {  	v0 =	vand.u32 $0x7, v2;
	v2 =	vor.u32 $0x8, v2;
	v1 =	vmul.u32 $0x8, v1;
	s7 =	sadd.s32 $0xC00, s7;
	s8 =	smax.u32 s9, $0x1;
	s9 =	simm.s32 $0x2  }
.LBB2_1:
0x10: {  	[tilespmem:s3], [sflag:$0x2] =	stream.linear.gather [hbm4b:s4+s3], $0x20, $0x38;
	[tilespmem:$0x9080] =	vst v63  }
0x11: {  	_ =	swait.ge [sflag:s9], $0x20  }
0x12: {  	[sflag:s9] =	ssyncset.done $0x0  }
0x13: {  	[sflag:s9] =	ssyncadd.s32 $0xFFFFFFE0  }
0x14: {  	v3 =	vld [tilespmem:$0x0];
	_ =	sdelay $0x4  }
0x15: {  	v4 =	vshll.u32 v3, $0x2  }
0x16: {  	v3 =	vand.u32 $0x7, v3;
	v4 =	vand.u32 $0xFFFFFFE0, v4  }
0x17: {  	v3 =	vor.u32 v3, v4  }
0x18: {  	v4 =	vperm.xlane v3, v0;
	_ =	sdelay $0x1  }
0x19: {  	v4 =	vadd.s32 v1, v4;
	_ =	sdelay $0x1  }
0x1a: {  	v3 =	vperm.xlane v3, v2;
	_ =	sdelay $0x1  }
0x1b: {  	v3 =	vadd.s32 v1, v3  }
0x1c: {  	[tilespmem:s10], [sflag:$0x1] =	stream.indirect_vreg.gather [hbm4b:s2+s3], $0x80, v4, vm0, $0xb8;
	[tilespmem:$0x9080] =	vst v63  }
0x1d: {  	_ = 	snop  }
0x1e: {  	[tilespmem:s11], [sflag:$0x1] =	stream.indirect_vreg.gather [hbm4b:s5+s3], $0x80, v4, vm0, $0xb8;
	[tilespmem:$0x9080] =	vst v63  }
0x1f: {  	_ = 	snop  }
0x20: {  	[tilespmem:s12], [sflag:$0x1] =	stream.indirect_vreg.gather [hbm4b:s2+s3], $0x80, v3, vm0, $0xb8;
	[tilespmem:$0x9080] =	vst v63  }
0x21: {  	_ = 	snop  }
0x22: {  	[tilespmem:s13], [sflag:$0x1] =	stream.indirect_vreg.gather [hbm4b:s5+s3], $0x80, v3, vm0, $0xb8;
	[tilespmem:$0x9080] =	vst v63  }
0x23: {  	v3 =	vld [tilespmem:$0x10];
	_ =	sdelay $0x4  }
0x24: {  	v4 =	vshll.u32 v3, $0x2  }
0x25: {  	v3 =	vand.u32 $0x7, v3;
	v4 =	vand.u32 $0xFFFFFFE0, v4  }
0x26: {  	v3 =	vor.u32 v3, v4  }
0x27: {  	v4 =	vperm.xlane v3, v0;
	_ =	sdelay $0x1  }
0x28: {  	v4 =	vadd.s32 v1, v4;
	_ =	sdelay $0x1  }
0x29: {  	v3 =	vperm.xlane v3, v2;
	_ =	sdelay $0x1  }
0x2a: {  	v3 =	vadd.s32 v1, v3  }
0x2b: {  	[tilespmem:s14], [sflag:$0x1] =	stream.indirect_vreg.gather [hbm4b:s2+s3], $0x80, v4, vm0, $0xb8;
	[tilespmem:$0x9080] =	vst v63  }
0x2c: {  	_ = 	snop  }
0x2d: {  	[tilespmem:s15], [sflag:$0x1] =	stream.indirect_vreg.gather [hbm4b:s5+s3], $0x80, v4, vm0, $0xb8;
	[tilespmem:$0x9080] =	vst v63  }
0x2e: {  	_ = 	snop  }
0x2f: {  	[tilespmem:s16], [sflag:$0x1] =	stream.indirect_vreg.gather [hbm4b:s2+s3], $0x80, v3, vm0, $0xb8;
	[tilespmem:$0x9080] =	vst v63  }
0x30: {  	_ = 	snop  }
0x31: {  	[tilespmem:s17], [sflag:$0x1] =	stream.indirect_vreg.gather [hbm4b:s5+s3], $0x80, v3, vm0, $0xb8;
	[tilespmem:$0x9080] =	vst v63  }
0x32: {  	_ =	swait.ge [sflag:s18], $0x4000  }
0x33: {  	[sflag:s18] =	ssyncset.done $0x0  }
0x34: {  	[sflag:s18] =	ssyncadd.s32 $0xFFFFC000  }
0x35: {  	[tilespmem:s19], [sflag:$0x2] =	stream.linear.gather [hbm4b:s6+s3], $0x4000, $0x38;
	[tilespmem:$0x9080] =	vst v63  }
0x36: {  	_ =	swait.ge [sflag:s9], $0x4000  }
0x37: {  	s22 =	sand.u32 $0x3000, s3;
	s23 =	sand.u32 $0x380, s3;
	[sflag:s9] =	ssyncset.done $0x0  }
0x38: {  	s22 =	sor.u32 s23, s22;
	[sflag:s9] =	ssyncadd.s32 $0xFFFFC000  }
0x39: {  	v3 =	vld [tilespmem:s22+$0x80]  }
0x3a: {  	v4 =	vld [tilespmem:s22+$0x4080]  }
0x3b: {  	v5 =	vld [tilespmem:s22+$0x90]  }
0x3c: {  	v6 =	vld [tilespmem:s22+$0x4090]  }
0x3d: {  	v7 =	vld [tilespmem:s22+$0xA0]  }
0x3e: {  	v9 =	vld [tilespmem:s22+$0xB0];
	v8 =	vmul.f32 $5.000000000e-01, v3  }
0x3f: {  	v10 =	vld [tilespmem:s22+$0x40A0]  }
0x40: {  	v11 =	vld [tilespmem:s22+$0xC0];
	v27 =	vmul.f32 $5.000000000e-01, v5;
	v4 =	vsub.f32 v8, v4  }
0x41: {  	v12 =	vld [tilespmem:s22+$0x40B0]  }
0x42: {  	v29 =	vld [tilespmem:s22+$0xD0];
	v28 =	vmul.f32 $5.000000000e-01, v7;
	v3 =	vmul.f32 v4, v3;
	v4 =	vsub.f32 v27, v6  }
0x43: {  	v14 =	vld [tilespmem:s22+$0x40C0];
	v13 =	vmul.f32 $5.000000000e-01, v9  }
0x44: {  	v30 =	vld [tilespmem:s22+$0xE0];
	v3 =	vadd.f32 $0.0e+00, v3;
	v4 =	vmul.f32 v4, v5;
	v5 =	vsub.f32 v28, v10  }
0x45: {  	v15 =	vld [tilespmem:s22+$0x40D0];
	v31 =	vmul.f32 $5.000000000e-01, v11  }
0x46: {  	v32 =	vld [tilespmem:s22+$0xF0];
	v3 =	vadd.f32 v4, v3;
	v4 =	vmul.f32 v5, v7;
	v5 =	vsub.f32 v13, v12  }
0x47: {  	v34 =	vld [tilespmem:s22+$0x40E0];
	v33 =	vmul.f32 $5.000000000e-01, v29  }
0x48: {  	v35 =	vld [tilespmem:s22+$0x480];
	v3 =	vadd.f32 v4, v3;
	v4 =	vmul.f32 v5, v9;
	v5 =	vsub.f32 v31, v14  }
0x49: {  	v37 =	vld [tilespmem:s22+$0x40F0];
	v36 =	vmul.f32 $5.000000000e-01, v30  }
0x4a: {  	v38 =	vld [tilespmem:s22+$0x490];
	v3 =	vadd.f32 v4, v3;
	v4 =	vmul.f32 v5, v11;
	v5 =	vsub.f32 v33, v15  }
0x4b: {  	v40 =	vld [tilespmem:s22+$0x4480];
	v39 =	vmul.f32 $5.000000000e-01, v32  }
0x4c: {  	v41 =	vld [tilespmem:s22+$0x4A0];
	v3 =	vadd.f32 v4, v3;
	v4 =	vmul.f32 v5, v29;
	v5 =	vsub.f32 v36, v34  }
0x4d: {  	v43 =	vld [tilespmem:s22+$0x4490];
	v42 =	vmul.f32 $5.000000000e-01, v35  }
0x4e: {  	v44 =	vld [tilespmem:s22+$0x4B0];
	v3 =	vadd.f32 v4, v3;
	v4 =	vmul.f32 v5, v30;
	v5 =	vsub.f32 v39, v37  }
0x4f: {  	v46 =	vld [tilespmem:s22+$0x44A0];
	v45 =	vmul.f32 $5.000000000e-01, v38  }
0x50: {  	v47 =	vld [tilespmem:s22+$0x4C0];
	v3 =	vadd.f32 v4, v3;
	v4 =	vmul.f32 v5, v32;
	v5 =	vsub.f32 v42, v40  }
0x51: {  	v49 =	vld [tilespmem:s22+$0x44B0];
	v48 =	vmul.f32 $5.000000000e-01, v41  }
0x52: {  	v50 =	vld [tilespmem:s22+$0x4D0];
	v3 =	vadd.f32 v4, v3;
	v4 =	vmul.f32 v5, v35;
	v5 =	vsub.f32 v45, v43  }
0x53: {  	v52 =	vld [tilespmem:s22+$0x44C0];
	v51 =	vmul.f32 $5.000000000e-01, v44  }
0x54: {  	v53 =	vld [tilespmem:s22+$0x4E0];
	v3 =	vadd.f32 v4, v3;
	v4 =	vmul.f32 v5, v38;
	v5 =	vsub.f32 v48, v46  }
0x55: {  	v55 =	vld [tilespmem:s22+$0x44D0];
	v54 =	vmul.f32 $5.000000000e-01, v47  }
0x56: {  	v56 =	vld [tilespmem:s22+$0x4F0];
	v3 =	vadd.f32 v4, v3;
	v4 =	vmul.f32 v5, v41;
	v5 =	vsub.f32 v51, v49  }
0x57: {  	v58 =	vld [tilespmem:s22+$0x44E0];
	v57 =	vmul.f32 $5.000000000e-01, v50  }
0x58: {  	v59 =	vld [tilespmem:s22+$0x880];
	v3 =	vadd.f32 v4, v3;
	v4 =	vmul.f32 v5, v44;
	v5 =	vsub.f32 v54, v52  }
0x59: {  	v61 =	vld [tilespmem:s22+$0x44F0];
	v60 =	vmul.f32 $5.000000000e-01, v53  }
0x5a: {  	v62 =	vld [tilespmem:s22+$0x890];
	v3 =	vadd.f32 v4, v3;
	v4 =	vmul.f32 v5, v47;
	v5 =	vsub.f32 v57, v55  }
0x5b: {  	v18 =	vld [tilespmem:s22+$0x4880];
	v63 =	vmul.f32 $5.000000000e-01, v56  }
0x5c: {  	v19 =	vld [tilespmem:s22+$0x8A0];
	v3 =	vadd.f32 v4, v3;
	v4 =	vmul.f32 v5, v50;
	v5 =	vsub.f32 v60, v58  }
0x5d: {  	v21 =	vld [tilespmem:s22+$0x4890];
	v20 =	vmul.f32 $5.000000000e-01, v59  }
0x5e: {  	v22 =	vld [tilespmem:s22+$0x8B0];
	v3 =	vadd.f32 v4, v3;
	v4 =	vmul.f32 v5, v53;
	v5 =	vsub.f32 v63, v61  }
0x5f: {  	v24 =	vld [tilespmem:s22+$0x48A0];
	v23 =	vmul.f32 $5.000000000e-01, v62  }
0x60: {  	v25 =	vld [tilespmem:s22+$0x8C0];
	v3 =	vadd.f32 v4, v3;
	v4 =	vmul.f32 v5, v56;
	v5 =	vsub.f32 v20, v18  }
0x61: {  	v26 =	vmul.f32 $5.000000000e-01, v19;
	v27 =	vld [tilespmem:s22+$0x48B0]  }
0x62: {  	v28 =	vld [tilespmem:s22+$0x8D0];
	v3 =	vadd.f32 v4, v3;
	v4 =	vmul.f32 v5, v59;
	v5 =	vsub.f32 v23, v21  }
0x63: {  	v29 =	vmul.f32 $5.000000000e-01, v22;
	v30 =	vld [tilespmem:s22+$0x48C0]  }
0x64: {  	v31 =	vld [tilespmem:s22+$0x8E0];
	v3 =	vadd.f32 v4, v3;
	v4 =	vmul.f32 v5, v62;
	v5 =	vsub.f32 v26, v24  }
0x65: {  	v33 =	vld [tilespmem:s22+$0x48D0];
	v32 =	vmul.f32 $5.000000000e-01, v25  }
0x66: {  	v34 =	vld [tilespmem:s22+$0x8F0];
	v3 =	vadd.f32 v4, v3;
	v4 =	vmul.f32 v5, v19;
	v5 =	vsub.f32 v29, v27  }
0x67: {  	v36 =	vld [tilespmem:s22+$0x48E0];
	v35 =	vmul.f32 $5.000000000e-01, v28  }
0x68: {  	v37 =	vld [tilespmem:s22+$0xC80];
	v3 =	vadd.f32 v4, v3;
	v4 =	vmul.f32 v5, v22;
	v5 =	vsub.f32 v32, v30  }
0x69: {  	v39 =	vld [tilespmem:s22+$0x48F0];
	v38 =	vmul.f32 $5.000000000e-01, v31  }
0x6a: {  	v40 =	vld [tilespmem:s22+$0xC90];
	v3 =	vadd.f32 v4, v3;
	v4 =	vmul.f32 v5, v25;
	v5 =	vsub.f32 v35, v33  }
0x6b: {  	v42 =	vld [tilespmem:s22+$0x4C80];
	v41 =	vmul.f32 $5.000000000e-01, v34  }
0x6c: {  	v43 =	vld [tilespmem:s22+$0xCA0];
	v3 =	vadd.f32 v4, v3;
	v4 =	vmul.f32 v5, v28;
	v5 =	vsub.f32 v38, v36  }
0x6d: {  	v45 =	vld [tilespmem:s22+$0x4C90];
	v44 =	vmul.f32 $5.000000000e-01, v37  }
0x6e: {  	v46 =	vld [tilespmem:s22+$0xCB0];
	v3 =	vadd.f32 v4, v3;
	v4 =	vmul.f32 v5, v31;
	v5 =	vsub.f32 v41, v39  }
0x6f: {  	v48 =	vld [tilespmem:s22+$0x4CA0];
	v47 =	vmul.f32 $5.000000000e-01, v40  }
0x70: {  	v49 =	vld [tilespmem:s22+$0xCC0];
	v3 =	vadd.f32 v4, v3;
	v4 =	vmul.f32 v5, v34;
	v5 =	vsub.f32 v44, v42  }
0x71: {  	v51 =	vld [tilespmem:s22+$0x4CB0];
	v50 =	vmul.f32 $5.000000000e-01, v43  }
0x72: {  	v52 =	vld [tilespmem:s22+$0xCD0];
	v3 =	vadd.f32 v4, v3;
	v4 =	vmul.f32 v5, v37;
	v5 =	vsub.f32 v47, v45  }
0x73: {  	v54 =	vld [tilespmem:s22+$0x4CC0];
	v53 =	vmul.f32 $5.000000000e-01, v46  }
0x74: {  	v55 =	vld [tilespmem:s22+$0xCE0];
	v3 =	vadd.f32 v4, v3;
	v4 =	vmul.f32 v5, v40;
	v5 =	vsub.f32 v50, v48  }
0x75: {  	v57 =	vld [tilespmem:s22+$0x4CD0];
	v56 =	vmul.f32 $5.000000000e-01, v49  }
0x76: {  	v58 =	vld [tilespmem:s22+$0xCF0];
	v3 =	vadd.f32 v4, v3;
	v4 =	vmul.f32 v5, v43;
	v5 =	vsub.f32 v53, v51  }
0x77: {  	v60 =	vld [tilespmem:s22+$0x4CE0];
	v59 =	vmul.f32 $5.000000000e-01, v52  }
0x78: {  	v3 =	vadd.f32 v4, v3;
	v4 =	vmul.f32 v5, v46;
	v5 =	vsub.f32 v56, v54  }
0x79: {  	v61 =	vmul.f32 $5.000000000e-01, v55;
	v62 =	vld [tilespmem:s22+$0x4CF0]  }
0x7a: {  	v3 =	vadd.f32 v4, v3;
	v4 =	vmul.f32 v5, v49;
	v5 =	vsub.f32 v59, v57  }
0x7b: {  	v63 =	vmul.f32 $5.000000000e-01, v58  }
0x7c: {  	v3 =	vadd.f32 v4, v3;
	v4 =	vmul.f32 v5, v52;
	v5 =	vsub.f32 v61, v60;
	_ =	sdelay $0x1  }
0x7d: {  	v3 =	vadd.f32 v4, v3;
	v4 =	vmul.f32 v5, v55;
	v5 =	vsub.f32 v63, v62;
	_ =	sdelay $0x1  }
0x7e: {  	v3 =	vadd.f32 v4, v3;
	v4 =	vmul.f32 v5, v58;
	_ =	sdelay $0x1  }
0x7f: {  	s26 =	simm.s32 $0x0;
	s23 =	simm.s32 $0x80;
	s22 =	simm.s32 $0x200;
	v3 =	vadd.f32 v4, v3  }
0x80: {  	s24 =	simm.s32 $0x400;
	s28 =	sand.u32 $0x380, s23;
	s25 =	sand.u32 $0x3000, s22  }
.LBB2_2:
0x81: {  	p0 =	sne.s32 s24, $0x3E00;
	s25 =	sor.u32 s28, s25;
	[tilespmem:s26+$0x8080] =	vst v3  }
0x82: {  	v3 =	vld [tilespmem:s25+$0x80]  }
0x83: {  	v4 =	vld [tilespmem:s25+$0x4080]  }
0x84: {  	v5 =	vld [tilespmem:s25+$0x90]  }
0x85: {  	v6 =	vld [tilespmem:s25+$0x4090]  }
0x86: {  	v7 =	vld [tilespmem:s25+$0xA0]  }
0x87: {  	v8 =	vmul.f32 $5.000000000e-01, v3;
	v9 =	vld [tilespmem:s25+$0xB0]  }
0x88: {  	v10 =	vld [tilespmem:s25+$0x40A0]  }
0x89: {  	v4 =	vsub.f32 v8, v4;
	v8 =	vmul.f32 $5.000000000e-01, v5;
	v11 =	vld [tilespmem:s25+$0xC0]  }
0x8a: {  	v12 =	vld [tilespmem:s25+$0x40B0]  }
0x8b: {  	v3 =	vmul.f32 v4, v3;
	v4 =	vsub.f32 v8, v6;
	v6 =	vmul.f32 $5.000000000e-01, v7;
	v8 =	vld [tilespmem:s25+$0xD0]  }
0x8c: {  	v13 =	vmul.f32 $5.000000000e-01, v9;
	v14 =	vld [tilespmem:s25+$0x40C0]  }
0x8d: {  	v3 =	vadd.f32 $0.0e+00, v3;
	v4 =	vmul.f32 v4, v5;
	v5 =	vsub.f32 v6, v10;
	v6 =	vld [tilespmem:s25+$0xE0]  }
0x8e: {  	v10 =	vmul.f32 $5.000000000e-01, v11;
	v15 =	vld [tilespmem:s25+$0x40D0]  }
0x8f: {  	v3 =	vadd.f32 v4, v3;
	v4 =	vmul.f32 v5, v7;
	v5 =	vsub.f32 v13, v12;
	v7 =	vld [tilespmem:s25+$0xF0]  }
0x90: {  	v12 =	vmul.f32 $5.000000000e-01, v8;
	v13 =	vld [tilespmem:s25+$0x40E0]  }
0x91: {  	v3 =	vadd.f32 v4, v3;
	v4 =	vmul.f32 v5, v9;
	v5 =	vsub.f32 v10, v14;
	v9 =	vld [tilespmem:s25+$0x480]  }
0x92: {  	v10 =	vmul.f32 $5.000000000e-01, v6;
	v14 =	vld [tilespmem:s25+$0x40F0]  }
0x93: {  	v3 =	vadd.f32 v4, v3;
	v4 =	vmul.f32 v5, v11;
	v5 =	vsub.f32 v12, v15;
	v11 =	vld [tilespmem:s25+$0x490]  }
0x94: {  	v12 =	vmul.f32 $5.000000000e-01, v7;
	v15 =	vld [tilespmem:s25+$0x4480]  }
0x95: {  	v3 =	vadd.f32 v4, v3;
	v4 =	vmul.f32 v5, v8;
	v5 =	vsub.f32 v10, v13;
	v8 =	vld [tilespmem:s25+$0x4A0]  }
0x96: {  	v10 =	vmul.f32 $5.000000000e-01, v9;
	v13 =	vld [tilespmem:s25+$0x4490]  }
0x97: {  	v3 =	vadd.f32 v4, v3;
	v4 =	vmul.f32 v5, v6;
	v5 =	vsub.f32 v12, v14;
	v6 =	vld [tilespmem:s25+$0x4B0]  }
0x98: {  	v12 =	vmul.f32 $5.000000000e-01, v11;
	v14 =	vld [tilespmem:s25+$0x44A0]  }
0x99: {  	v3 =	vadd.f32 v4, v3;
	v4 =	vmul.f32 v5, v7;
	v5 =	vsub.f32 v10, v15;
	v7 =	vld [tilespmem:s25+$0x4C0]  }
0x9a: {  	v10 =	vmul.f32 $5.000000000e-01, v8;
	v15 =	vld [tilespmem:s25+$0x44B0]  }
0x9b: {  	v3 =	vadd.f32 v4, v3;
	v4 =	vmul.f32 v5, v9;
	v5 =	vsub.f32 v12, v13;
	v9 =	vld [tilespmem:s25+$0x4D0]  }
0x9c: {  	v12 =	vmul.f32 $5.000000000e-01, v6;
	v13 =	vld [tilespmem:s25+$0x44C0]  }
0x9d: {  	v3 =	vadd.f32 v4, v3;
	v4 =	vmul.f32 v5, v11;
	v5 =	vsub.f32 v10, v14;
	v10 =	vld [tilespmem:s25+$0x4E0]  }
0x9e: {  	v11 =	vmul.f32 $5.000000000e-01, v7;
	v14 =	vld [tilespmem:s25+$0x44D0]  }
0x9f: {  	v3 =	vadd.f32 v4, v3;
	v4 =	vmul.f32 v5, v8;
	v5 =	vsub.f32 v12, v15;
	v8 =	vld [tilespmem:s25+$0x4F0]  }
0xa0: {  	v12 =	vmul.f32 $5.000000000e-01, v9;
	v15 =	vld [tilespmem:s25+$0x44E0]  }
0xa1: {  	v3 =	vadd.f32 v4, v3;
	v4 =	vmul.f32 v5, v6;
	v5 =	vsub.f32 v11, v13;
	v6 =	vld [tilespmem:s25+$0x880]  }
0xa2: {  	v11 =	vmul.f32 $5.000000000e-01, v10;
	v13 =	vld [tilespmem:s25+$0x44F0]  }
0xa3: {  	v3 =	vadd.f32 v4, v3;
	v4 =	vmul.f32 v5, v7;
	v5 =	vsub.f32 v12, v14;
	v7 =	vld [tilespmem:s25+$0x890]  }
0xa4: {  	v12 =	vmul.f32 $5.000000000e-01, v8;
	v14 =	vld [tilespmem:s25+$0x4880]  }
0xa5: {  	v3 =	vadd.f32 v4, v3;
	v4 =	vmul.f32 v5, v9;
	v5 =	vsub.f32 v11, v15;
	v9 =	vld [tilespmem:s25+$0x8A0]  }
0xa6: {  	v11 =	vmul.f32 $5.000000000e-01, v6;
	v15 =	vld [tilespmem:s25+$0x4890]  }
0xa7: {  	v3 =	vadd.f32 v4, v3;
	v4 =	vmul.f32 v5, v10;
	v5 =	vsub.f32 v12, v13;
	v10 =	vld [tilespmem:s25+$0x8B0]  }
0xa8: {  	v12 =	vmul.f32 $5.000000000e-01, v7;
	v13 =	vld [tilespmem:s25+$0x48A0]  }
0xa9: {  	v3 =	vadd.f32 v4, v3;
	v4 =	vmul.f32 v5, v8;
	v5 =	vsub.f32 v11, v14;
	v8 =	vld [tilespmem:s25+$0x8C0]  }
0xaa: {  	v11 =	vmul.f32 $5.000000000e-01, v9;
	v14 =	vld [tilespmem:s25+$0x48B0]  }
0xab: {  	v3 =	vadd.f32 v4, v3;
	v4 =	vmul.f32 v5, v6;
	v5 =	vsub.f32 v12, v15;
	v6 =	vld [tilespmem:s25+$0x8D0]  }
0xac: {  	v12 =	vmul.f32 $5.000000000e-01, v10;
	v15 =	vld [tilespmem:s25+$0x48C0]  }
0xad: {  	v3 =	vadd.f32 v4, v3;
	v4 =	vmul.f32 v5, v7;
	v5 =	vsub.f32 v11, v13;
	v7 =	vld [tilespmem:s25+$0x8E0]  }
0xae: {  	v11 =	vmul.f32 $5.000000000e-01, v8;
	v13 =	vld [tilespmem:s25+$0x48D0]  }
0xaf: {  	v3 =	vadd.f32 v4, v3;
	v4 =	vmul.f32 v5, v9;
	v5 =	vsub.f32 v12, v14;
	v9 =	vld [tilespmem:s25+$0x8F0]  }
0xb0: {  	v12 =	vmul.f32 $5.000000000e-01, v6;
	v14 =	vld [tilespmem:s25+$0x48E0]  }
0xb1: {  	v3 =	vadd.f32 v4, v3;
	v4 =	vmul.f32 v5, v10;
	v5 =	vsub.f32 v11, v15;
	v10 =	vld [tilespmem:s25+$0xC80]  }
0xb2: {  	v11 =	vmul.f32 $5.000000000e-01, v7;
	v15 =	vld [tilespmem:s25+$0x48F0]  }
0xb3: {  	v3 =	vadd.f32 v4, v3;
	v4 =	vmul.f32 v5, v8;
	v5 =	vsub.f32 v12, v13;
	v8 =	vld [tilespmem:s25+$0xC90]  }
0xb4: {  	v12 =	vmul.f32 $5.000000000e-01, v9;
	v13 =	vld [tilespmem:s25+$0x4C80]  }
0xb5: {  	v3 =	vadd.f32 v4, v3;
	v4 =	vmul.f32 v5, v6;
	v5 =	vsub.f32 v11, v14;
	v6 =	vld [tilespmem:s25+$0xCA0]  }
0xb6: {  	v11 =	vmul.f32 $5.000000000e-01, v10;
	v14 =	vld [tilespmem:s25+$0x4C90]  }
0xb7: {  	v3 =	vadd.f32 v4, v3;
	v4 =	vmul.f32 v5, v7;
	v5 =	vsub.f32 v12, v15;
	v7 =	vld [tilespmem:s25+$0xCB0]  }
0xb8: {  	v12 =	vmul.f32 $5.000000000e-01, v8;
	v15 =	vld [tilespmem:s25+$0x4CA0]  }
0xb9: {  	v3 =	vadd.f32 v4, v3;
	v4 =	vmul.f32 v5, v9;
	v5 =	vsub.f32 v11, v13;
	v9 =	vld [tilespmem:s25+$0xCC0]  }
0xba: {  	v11 =	vmul.f32 $5.000000000e-01, v6;
	v13 =	vld [tilespmem:s25+$0x4CB0]  }
0xbb: {  	v3 =	vadd.f32 v4, v3;
	v4 =	vmul.f32 v5, v10;
	v5 =	vsub.f32 v12, v14;
	v10 =	vld [tilespmem:s25+$0xCD0]  }
0xbc: {  	v12 =	vmul.f32 $5.000000000e-01, v7;
	v14 =	vld [tilespmem:s25+$0x4CC0]  }
0xbd: {  	v3 =	vadd.f32 v4, v3;
	v4 =	vmul.f32 v5, v8;
	v5 =	vsub.f32 v11, v15;
	v8 =	vld [tilespmem:s25+$0xCE0]  }
0xbe: {  	v11 =	vmul.f32 $5.000000000e-01, v9;
	v15 =	vld [tilespmem:s25+$0x4CD0]  }
0xbf: {  	v3 =	vadd.f32 v4, v3;
	v4 =	vmul.f32 v5, v6;
	v5 =	vsub.f32 v12, v13;
	v6 =	vld [tilespmem:s25+$0xCF0]  }
0xc0: {  	v12 =	vmul.f32 $5.000000000e-01, v10;
	v13 =	vld [tilespmem:s25+$0x4CE0]  }
0xc1: {  	v3 =	vadd.f32 v4, v3;
	v4 =	vmul.f32 v5, v7;
	v5 =	vsub.f32 v11, v14  }
0xc2: {  	v7 =	vmul.f32 $5.000000000e-01, v8;
	v11 =	vld [tilespmem:s25+$0x4CF0]  }
0xc3: {  	v3 =	vadd.f32 v4, v3;
	v4 =	vmul.f32 v5, v9;
	v5 =	vsub.f32 v12, v15  }
0xc4: {  	v9 =	vmul.f32 $5.000000000e-01, v6  }
0xc5: {  	v3 =	vadd.f32 v4, v3;
	v4 =	vmul.f32 v5, v10;
	v5 =	vsub.f32 v7, v13;
	_ =	sdelay $0x1  }
0xc6: {  	v3 =	vadd.f32 v4, v3;
	v4 =	vmul.f32 v5, v8;
	v5 =	vsub.f32 v9, v11  }
.Ltmp0:
0xc7: {  	(pc) =	sbr.rel @p0 .LBB2_2-.Ltmp0, $3  }
0xc8: {  	v3 =	vadd.f32 v4, v3;
	v4 =	vmul.f32 v5, v6;
	_ =	sdelay $0x1  }
0xc9: {  	s26 =	sshra.s32 s22, $0x2;
	s23 =	sadd.s32 $0x80, s23;
	s22 =	smov.u32 s24;
	v3 =	vadd.f32 v4, v3  }
0xca: {  	s24 =	sadd.s32 $0x200, s24;
	s28 =	sand.u32 $0x380, s23;
	s25 =	sand.u32 $0x3000, s22  }
0xcb: {  	s23 =	sor.u32 s28, s25;
	[tilespmem:s26+$0x8080] =	vst v3  }
0xcc: {  	v3 =	vld [tilespmem:s23+$0x80]  }
0xcd: {  	v4 =	vld [tilespmem:s23+$0x4080]  }
0xce: {  	v5 =	vld [tilespmem:s23+$0x90]  }
0xcf: {  	v6 =	vld [tilespmem:s23+$0x4090]  }
0xd0: {  	v7 =	vld [tilespmem:s23+$0xA0]  }
0xd1: {  	v9 =	vld [tilespmem:s23+$0xB0];
	v8 =	vmul.f32 $5.000000000e-01, v3  }
0xd2: {  	v10 =	vld [tilespmem:s23+$0x40A0]  }
0xd3: {  	v11 =	vld [tilespmem:s23+$0xC0];
	v59 =	vmul.f32 $5.000000000e-01, v5;
	v4 =	vsub.f32 v8, v4  }
0xd4: {  	v12 =	vld [tilespmem:s23+$0x40B0]  }
0xd5: {  	v62 =	vld [tilespmem:s23+$0xD0];
	v61 =	vmul.f32 $5.000000000e-01, v7;
	v60 =	vsub.f32 v59, v6;
	v3 =	vmul.f32 v4, v3  }
0xd6: {  	v14 =	vld [tilespmem:s23+$0x40C0];
	v13 =	vmul.f32 $5.000000000e-01, v9  }
0xd7: {  	v18 =	vld [tilespmem:s23+$0xE0];
	v63 =	vsub.f32 v61, v10;
	v4 =	vmul.f32 v60, v5;
	v3 =	vadd.f32 $0.0e+00, v3  }
0xd8: {  	v15 =	vld [tilespmem:s23+$0x40D0];
	v19 =	vmul.f32 $5.000000000e-01, v11  }
0xd9: {  	v22 =	vld [tilespmem:s23+$0xF0];
	v21 =	vsub.f32 v13, v12;
	v20 =	vmul.f32 v63, v7;
	v3 =	vadd.f32 v4, v3  }
0xda: {  	v24 =	vld [tilespmem:s23+$0x40E0];
	v23 =	vmul.f32 $5.000000000e-01, v62  }
0xdb: {  	v27 =	vld [tilespmem:s23+$0x480];
	v26 =	vsub.f32 v19, v14;
	v25 =	vmul.f32 v21, v9;
	v3 =	vadd.f32 v20, v3  }
0xdc: {  	v29 =	vld [tilespmem:s23+$0x40F0];
	v28 =	vmul.f32 $5.000000000e-01, v18  }
0xdd: {  	v32 =	vld [tilespmem:s23+$0x490];
	v31 =	vsub.f32 v23, v15;
	v30 =	vmul.f32 v26, v11;
	v3 =	vadd.f32 v25, v3  }
0xde: {  	v34 =	vld [tilespmem:s23+$0x4480];
	v33 =	vmul.f32 $5.000000000e-01, v22  }
0xdf: {  	v37 =	vld [tilespmem:s23+$0x4A0];
	v36 =	vsub.f32 v28, v24;
	v35 =	vmul.f32 v31, v62;
	v3 =	vadd.f32 v30, v3  }
0xe0: {  	v39 =	vld [tilespmem:s23+$0x4490];
	v38 =	vmul.f32 $5.000000000e-01, v27  }
0xe1: {  	v42 =	vld [tilespmem:s23+$0x4B0];
	v41 =	vsub.f32 v33, v29;
	v40 =	vmul.f32 v36, v18;
	v3 =	vadd.f32 v35, v3  }
0xe2: {  	v44 =	vld [tilespmem:s23+$0x44A0];
	v43 =	vmul.f32 $5.000000000e-01, v32  }
0xe3: {  	v47 =	vld [tilespmem:s23+$0x4C0];
	v46 =	vsub.f32 v38, v34;
	v45 =	vmul.f32 v41, v22;
	v3 =	vadd.f32 v40, v3  }
0xe4: {  	v49 =	vld [tilespmem:s23+$0x44B0];
	v48 =	vmul.f32 $5.000000000e-01, v37  }
0xe5: {  	v52 =	vld [tilespmem:s23+$0x4D0];
	v51 =	vsub.f32 v43, v39;
	v50 =	vmul.f32 v46, v27;
	v3 =	vadd.f32 v45, v3  }
0xe6: {  	v54 =	vld [tilespmem:s23+$0x44C0];
	v53 =	vmul.f32 $5.000000000e-01, v42  }
0xe7: {  	v57 =	vld [tilespmem:s23+$0x4E0];
	v56 =	vsub.f32 v48, v44;
	v55 =	vmul.f32 v51, v32;
	v3 =	vadd.f32 v50, v3  }
0xe8: {  	v58 =	vmul.f32 $5.000000000e-01, v47;
	v59 =	vld [tilespmem:s23+$0x44D0]  }
0xe9: {  	v61 =	vsub.f32 v53, v49;
	v60 =	vmul.f32 v56, v37;
	v62 =	vld [tilespmem:s23+$0x4F0];
	v3 =	vadd.f32 v55, v3  }
0xea: {  	v63 =	vmul.f32 $5.000000000e-01, v52;
	v18 =	vld [tilespmem:s23+$0x44E0]  }
0xeb: {  	v19 =	vmul.f32 v61, v42;
	v21 =	vld [tilespmem:s23+$0x880];
	v20 =	vsub.f32 v58, v54;
	v3 =	vadd.f32 v60, v3  }
0xec: {  	v23 =	vld [tilespmem:s23+$0x44F0];
	v22 =	vmul.f32 $5.000000000e-01, v57  }
0xed: {  	v26 =	vld [tilespmem:s23+$0x890];
	v24 =	vmul.f32 v20, v47;
	v25 =	vsub.f32 v63, v59;
	v3 =	vadd.f32 v19, v3  }
0xee: {  	v28 =	vld [tilespmem:s23+$0x4880];
	v27 =	vmul.f32 $5.000000000e-01, v62  }
0xef: {  	v31 =	vld [tilespmem:s23+$0x8A0];
	v29 =	vmul.f32 v25, v52;
	v30 =	vsub.f32 v22, v18;
	v3 =	vadd.f32 v24, v3  }
0xf0: {  	v33 =	vld [tilespmem:s23+$0x4890];
	v32 =	vmul.f32 $5.000000000e-01, v21  }
0xf1: {  	v36 =	vld [tilespmem:s23+$0x8B0];
	v34 =	vmul.f32 v30, v57;
	v35 =	vsub.f32 v27, v23;
	v3 =	vadd.f32 v29, v3  }
0xf2: {  	v38 =	vld [tilespmem:s23+$0x48A0];
	v37 =	vmul.f32 $5.000000000e-01, v26  }
0xf3: {  	v41 =	vld [tilespmem:s23+$0x8C0];
	v39 =	vmul.f32 v35, v62;
	v40 =	vsub.f32 v32, v28;
	v3 =	vadd.f32 v34, v3  }
0xf4: {  	v43 =	vld [tilespmem:s23+$0x48B0];
	v42 =	vmul.f32 $5.000000000e-01, v31  }
0xf5: {  	v46 =	vld [tilespmem:s23+$0x8D0];
	v44 =	vmul.f32 v40, v21;
	v45 =	vsub.f32 v37, v33;
	v3 =	vadd.f32 v39, v3  }
0xf6: {  	v48 =	vld [tilespmem:s23+$0x48C0];
	v47 =	vmul.f32 $5.000000000e-01, v36  }
0xf7: {  	v51 =	vld [tilespmem:s23+$0x8E0];
	v49 =	vmul.f32 v45, v26;
	v50 =	vsub.f32 v42, v38;
	v3 =	vadd.f32 v44, v3  }
0xf8: {  	v53 =	vld [tilespmem:s23+$0x48D0];
	v52 =	vmul.f32 $5.000000000e-01, v41  }
0xf9: {  	v56 =	vld [tilespmem:s23+$0x8F0];
	v54 =	vmul.f32 v50, v31;
	v55 =	vsub.f32 v47, v43;
	v3 =	vadd.f32 v49, v3  }
0xfa: {  	v58 =	vld [tilespmem:s23+$0x48E0];
	v57 =	vmul.f32 $5.000000000e-01, v46  }
0xfb: {  	v61 =	vld [tilespmem:s23+$0xC80];
	v59 =	vmul.f32 v55, v36;
	v60 =	vsub.f32 v52, v48;
	v3 =	vadd.f32 v54, v3  }
0xfc: {  	v63 =	vld [tilespmem:s23+$0x48F0];
	v62 =	vmul.f32 $5.000000000e-01, v51  }
0xfd: {  	v18 =	vsub.f32 v57, v53;
	v21 =	vld [tilespmem:s23+$0x4C80];
	v17 =	vmul.f32 v60, v41;
	v3 =	vadd.f32 v59, v3  }
0xfe: {  	v20 =	vmul.f32 $5.000000000e-01, v56;
	v19 =	vld [tilespmem:s23+$0xC90]  }
0xff: {  	v22 =	vmul.f32 v18, v46;
	v23 =	vsub.f32 v62, v58;
	v26 =	vld [tilespmem:s23+$0x4C90];
	v3 =	vadd.f32 v17, v3  }
0x100: {  	v25 =	vmul.f32 $5.000000000e-01, v61;
	v24 =	vld [tilespmem:s23+$0xCA0]  }
0x101: {  	v28 =	vsub.f32 v20, v63;
	v27 =	vmul.f32 v23, v51;
	v29 =	vld [tilespmem:s23+$0xCB0];
	v3 =	vadd.f32 v22, v3  }
0x102: {  	v31 =	vld [tilespmem:s23+$0x4CA0];
	v33 =	vsub.f32 v25, v21  }
0x103: {  	v32 =	vmul.f32 v28, v56;
	v30 =	vmul.f32 $5.000000000e-01, v19;
	v34 =	vld [tilespmem:s23+$0xCC0];
	v3 =	vadd.f32 v27, v3  }
0x104: {  	v36 =	vld [tilespmem:s23+$0x4CB0];
	v37 =	vmul.f32 v33, v61  }
0x105: {  	v35 =	vmul.f32 $5.000000000e-01, v24;
	v38 =	vsub.f32 v30, v26;
	v39 =	vld [tilespmem:s23+$0xCD0];
	v3 =	vadd.f32 v32, v3  }
0x106: {  	v41 =	vld [tilespmem:s23+$0x4CC0];
	v40 =	vmul.f32 $5.000000000e-01, v29  }
0x107: {  	v42 =	vmul.f32 v38, v19;
	v43 =	vsub.f32 v35, v31;
	v44 =	vld [tilespmem:s23+$0xCE0];
	v3 =	vadd.f32 v37, v3  }
0x108: {  	v46 =	vld [tilespmem:s23+$0x4CD0];
	v45 =	vmul.f32 $5.000000000e-01, v34  }
0x109: {  	v47 =	vmul.f32 v43, v24;
	v48 =	vsub.f32 v40, v36;
	v49 =	vld [tilespmem:s23+$0xCF0];
	v3 =	vadd.f32 v42, v3  }
0x10a: {  	v51 =	vld [tilespmem:s23+$0x4CE0];
	v50 =	vmul.f32 $5.000000000e-01, v39  }
0x10b: {  	v52 =	vmul.f32 v48, v29;
	v53 =	vsub.f32 v45, v41;
	v3 =	vadd.f32 v47, v3  }
0x10c: {  	v55 =	vld [tilespmem:s23+$0x4CF0];
	v54 =	vmul.f32 $5.000000000e-01, v44  }
0x10d: {  	v56 =	vmul.f32 v53, v34;
	v57 =	vsub.f32 v50, v46;
	v3 =	vadd.f32 v52, v3  }
0x10e: {  	v58 =	vmul.f32 $5.000000000e-01, v49  }
0x10f: {  	v59 =	vmul.f32 v57, v39;
	v60 =	vsub.f32 v54, v51;
	v3 =	vadd.f32 v56, v3;
	_ =	sdelay $0x1  }
0x110: {  	v61 =	vmul.f32 v60, v44;
	v62 =	vsub.f32 v58, v55;
	v3 =	vadd.f32 v59, v3;
	_ =	sdelay $0x1  }
0x111: {  	v63 =	vmul.f32 v62, v49;
	v3 =	vadd.f32 v61, v3;
	_ =	sdelay $0x1  }
0x112: {  	s21 =	sadd.s32 $0x1, s21;
	v3 =	vadd.f32 v63, v3  }
0x113: {  	s22 =	sshra.s32 s22, $0x2;
	p0 =	sne.s32 s21, s8  }
.Ltmp1:
0x114: {  	[tilespmem:s22+$0x8080] =	vst v3;
	(pc) =	sbr.rel @p0 .LBB2_1-.Ltmp1, $4  }
0x115: {  	[hbm4b:s7+s3] =	stream.linear.scatter [tilespmem:s20], [sflag:$0x2], $0x1000, $0x38;
	[tilespmem:$0x9080] =	vst v63  }
0x116: {  	_ =	swait.ge [sflag:s9], $0x1000  }
0x117: {  	[sflag:s9] =	ssyncset.done $0x0  }
0x118: {  	[sflag:s9] =	ssyncadd.s32 $0xFFFFF000  }
0x119: {  	_ =	sfence.sel $0x180000  }
0x11a: {  	[bflag:$0x0] =	sbarrier.arrive $0xFFFF  }
0x11b: {  	p0 =	sne.s32 s0, $0x0;
	_ =	strace $0x90000047  }
0x11c: {  	s0 =	sadd.s32 @!p0 $0x100000, s1;
	[bflag:$0x2] =	sbarrier.arrive $0xFFFF  }
0x11d: {  	[sflag:s0] =	ssyncadd.tile.s32 @!p0 $0x1;
	_ =	shalt  }
.Lfunc_end2:
_tile_overlayer_lowered:
.L_overlay_start_2:
0x11e: {  	(tag) =	ssettag $0x2  }
0x11f: {  	s0 =	rddreg [dreg:$0x0];
	s2 =	stileid.u32  }
0x120: {  	s1 =	rddreg [dreg:$0x1];
	p0 =	sne.s32 s2, $0x0  }
0x121: {  	s3 =	rddreg [dreg:$0x2];
	[bflag:$0x3] =	sbarrier.arrive $0xFFFF;
	s2 =	simm.s32 @!p0 $0x1C02  }
0x122: {  	[timem:s3], [sflag:s2] =	dma.local @!p0 [hbm:s0], s1  }
0x123: {  	s0 =	simm.s32 @!p0 $0x2  }
0x124: {  	_ =	swait.ge @!p0 [sflag:s0], s1  }
0x125: {  	s1 =	ssub.s32 @!p0 $0x0, s1;
	[sflag:s0] =	ssyncset.done @!p0 $0x0  }
0x126: {  	[sflag:s0] =	ssyncadd.s32 @!p0 s1  }
0x127: {  	[bflag:$0x3] =	sbarrier.arrive $0xFFFF  }
0x128: {  	_ =	shalt  }

</sc_bundles>
